<compile_context>
chip_gen: v7x
topology: tpu7x:2x2x1
jax: 0.10.2.dev20260603
libtpu: 0.0.44.dev20260713+nightly
codegen_flags: <defaults>
</compile_context>

<pallas_src>
import functools

import jax
import jax.numpy as jnp
from jax import lax
from jax.experimental import pallas as pl
from jax.experimental.pallas import tpu as pltpu
from jax.experimental.pallas import tpu_sc as plsc

_FF = 512
_EPB = 2



def _routing_body(T, E, K, NC, NS, idx_hbm, wgt_hbm, w_hbm, idx_v, wgt_v, wloc_v):
    NW = NC * NS
    tpw = T // NW
    vpw = tpw * K
    wid = lax.axis_index("s") * NC + lax.axis_index("c")
    pltpu.sync_copy(idx_hbm.at[pl.ds(wid * vpw, vpw)], idx_v)
    pltpu.sync_copy(wgt_hbm.at[pl.ds(wid * vpw, vpw)], wgt_v)
    for j in range(tpw * E // 16):
        wloc_v[pl.ds(j * 16, 16)] = jnp.zeros((16,), jnp.float32)
    lanes = lax.broadcasted_iota(jnp.int32, (16,), 0)
    for j in range(vpw // 16):
        local_t = (lanes + j * 16) // K
        flat = local_t * E + idx_v[pl.ds(j * 16, 16)]
        wv = wgt_v[pl.ds(j * 16, 16)]
        for k in range(K):
            plsc.addupdate_scatter(wloc_v, [flat], wv, mask=(lanes % K) == k)
    pltpu.sync_copy(wloc_v, w_hbm.at[pl.ds(wid * tpw * E, tpw * E)])


def _routing_weights(top_k_indices, top_k_weights, E):
    T, K = top_k_indices.shape
    info = plsc.get_sparse_core_info()
    NC, NS = 1, info.num_subcores
    NW = NC * NS
    tpw = T // NW
    mesh = plsc.VectorSubcoreMesh(core_axis_name="c", subcore_axis_name="s",
                                  num_cores=NC, num_subcores=NS)
    k = pl.kernel(
        functools.partial(_routing_body, T, E, K, NC, NS),
        out_type=jax.ShapeDtypeStruct((T * E,), jnp.float32),
        mesh=mesh,
        scratch_types=[
            pltpu.VMEM((tpw * K,), jnp.int32),
            pltpu.VMEM((tpw * K,), jnp.float32),
            pltpu.VMEM((tpw * E,), jnp.float32),
        ],
        compiler_params=pltpu.CompilerParams(needs_layout_passes=False),
    )
    w = k(top_k_indices.reshape(-1).astype(jnp.int32),
          top_k_weights.reshape(-1))
    return w.reshape(T, E)



def _moe_body(w_ref, hs_ref, gup_ref, down_ref, out_ref):
    g = pl.program_id(0)
    hs = hs_ref[...]
    W = w_ref[...]
    eidx = lax.broadcasted_iota(jnp.int32, W.shape, 1)
    contrib = jnp.zeros_like(out_ref)
    for i in range(_EPB):
        e = g * _EPB + i
        w = jnp.sum(jnp.where(eidx == e, W, 0.0), axis=1)
        gu = jax.lax.dot_general(
            hs, gup_ref[i], (((1,), (1,)), ((), ())),
            preferred_element_type=jnp.float32)
        gate = gu[:, :_FF]
        up = gu[:, _FF:]
        act = gate * jax.nn.sigmoid(gate) * up
        eo = jax.lax.dot_general(
            act, down_ref[i], (((1,), (1,)), ((), ())),
            preferred_element_type=jnp.float32)
        contrib = contrib + eo * w[:, None]

    @pl.when(g == 0)
    def _init():
        out_ref[...] = contrib

    @pl.when(g != 0)
    def _acc():
        out_ref[...] += contrib


def kernel(hidden_states, top_k_indices, top_k_weights, gate_up_proj, down_proj):
    T, H = hidden_states.shape
    E, FF2, _ = gate_up_proj.shape

    W = _routing_weights(top_k_indices, top_k_weights, E)

    return pl.pallas_call(
        _moe_body,
        grid=(E // _EPB,),
        in_specs=[
            pl.BlockSpec((T, E), lambda e: (0, 0)),
            pl.BlockSpec((T, H), lambda e: (0, 0)),
            pl.BlockSpec((_EPB, FF2, H), lambda e: (e, 0, 0)),
            pl.BlockSpec((_EPB, H, FF2 // 2), lambda e: (e, 0, 0)),
        ],
        out_specs=pl.BlockSpec((T, H), lambda e: (0, 0)),
        out_shape=jax.ShapeDtypeStruct((T, H), jnp.float32),
        compiler_params=pltpu.CompilerParams(
            dimension_semantics=("arbitrary",),
        ),
    )(W, hidden_states, gate_up_proj, down_proj)

# --- scband reference (transcript-rebuilt; emitter-appended) ---
"""Pipeline reference for scband-qwen3-next-experts-for-engine-32392643347144 (READ-ONLY COPY).

The authoritative reference and input builder live on the scoring server;
editing this copy changes nothing except your own understanding.
"""

import jax, jax.numpy as jnp
import numpy as np

NUM_TOKENS = 64
HIDDEN = 1024
FF = 512
NUM_EXPERTS = 64
TOP_K = 8

def setup_inputs(seed: int = 0) -> dict:
    key = jax.random.key(seed)
    k0, k1, k2, k3, k4 = jax.random.split(key, 5)
    hidden_states = jax.random.normal(k0, (NUM_TOKENS, HIDDEN), dtype=jnp.float32)
    top_k_indices = jax.random.randint(k1, (NUM_TOKENS, TOP_K), 0, NUM_EXPERTS)
    top_k_weights = jax.random.uniform(k2, (NUM_TOKENS, TOP_K), dtype=jnp.float32)
    # learned parameters, per init_kwargs: gate_up_proj [E, 2*ff, H], down_proj [E, H, ff]
    gate_up_proj = jax.random.normal(k3, (NUM_EXPERTS, 2 * FF, HIDDEN), dtype=jnp.float32) * 0.02
    down_proj = jax.random.normal(k4, (NUM_EXPERTS, HIDDEN, FF), dtype=jnp.float32) * 0.02
    return {
        "hidden_states": hidden_states,
        "top_k_indices": top_k_indices,
        "top_k_weights": top_k_weights,
        "gate_up_proj": gate_up_proj,
        "down_proj": down_proj,
    }

def reference(hidden_states, top_k_indices, top_k_weights, gate_up_proj, down_proj):
    # Faithful translation of Qwen3NextExpertsForEngine.forward (use_tp=False).
    # torch uses data-dependent torch.where gathering + index_add_; here we use the
    # mathematically identical dense one-hot dispatch: per expert e, the per-token
    # routing weight is sum_k top_k_weights[t,k] * (top_k_indices[t,k]==e), and the
    # expert FFN output is scaled by it and accumulated. Tokens not routed get weight 0.
    num_experts = gate_up_proj.shape[0]
    final_output = jnp.zeros_like(hidden_states)
    for e in range(num_experts):
        mask = (top_k_indices == e).astype(top_k_weights.dtype)  # [T, K]
        w_e = jnp.sum(top_k_weights * mask, axis=-1)             # [T]
        gu = hidden_states @ gate_up_proj[e].T                   # [T, 2*ff]
        gate, up = jnp.split(gu, 2, axis=-1)
        act = jax.nn.silu(gate) * up                             # SiLU(gate) * up
        expert_out = act @ down_proj[e].T                        # [T, H]
        final_output = final_output + expert_out * w_e[:, None]
    return final_output

if __name__ == "__main__":
    import jax
    _d = setup_inputs()
    print(jax.jit(kernel)(*tuple(_d.values())))

</pallas_src>

<mosaic_0001>
#map = affine_map<(d0, d1) -> (0)>
module attributes {stable_mosaic.version = 14 : i64} {
  func.func @_routing_body(%arg0: i32, %arg1: i32, %arg2: memref<512xi32, #tpu.memory_space<hbm>>, %arg3: memref<512xf32, #tpu.memory_space<hbm>>, %arg4: memref<4096xf32, #tpu.memory_space<hbm>>, %arg5: memref<32xi32, #tpu.memory_space<vmem>>, %arg6: memref<32xf32, #tpu.memory_space<vmem>>, %arg7: memref<256xf32, #tpu.memory_space<vmem>>) attributes {dimension_semantics = [#tpu.dimension_semantics<core_parallel>, #tpu.dimension_semantics<subcore_parallel>], iteration_bounds = array<i64: 1, 16>, scalar_prefetch = 0 : i64, scratch_operands = 3 : i64, tpu.core_type = #tpu.core_type<sc_vector_subcore>, window_params = [{transform_indices = #map}, {transform_indices = #map}, {transform_indices = #map}]} {
    %mul3A = arith.constant 1 : i32
    %mul3A_0 = arith.muli %arg1, %mul3A : i32
    %add3A = arith.addi %mul3A_0, %arg0 : i32
    %mul3A_1 = arith.constant 32 : i32
    %mul3A_2 = arith.muli %add3A, %mul3A_1 : i32
    "tpu.region"() ({
      %run_scoped3A = tpu.sem_alloc : memref<!tpu.dma_semaphore, #tpu.memory_space<semaphore_mem>>
      %dma_start3A = tpu.memref_slice %arg2[%mul3A_2] : memref<512xi32, #tpu.memory_space<hbm>> -> memref<32xi32, #tpu.memory_space<hbm>>
      %dma_start3A_544 = tpu.memref_slice %arg2[%mul3A_2] : memref<512xi32, #tpu.memory_space<hbm>> -> memref<32xi32, #tpu.memory_space<hbm>>
      tpu.enqueue_dma source(%dma_start3A_544 : memref<32xi32, #tpu.memory_space<hbm>>) target(%arg5 : memref<32xi32, #tpu.memory_space<vmem>>) target_semaphore(%run_scoped3A : memref<!tpu.dma_semaphore, #tpu.memory_space<semaphore_mem>>)
      %dma_wait3A = tpu.memref_slice %arg2[%mul3A_2] : memref<512xi32, #tpu.memory_space<hbm>> -> memref<32xi32, #tpu.memory_space<hbm>>
      %dma_wait3A_545 = tpu.memref_slice %arg2[%mul3A_2] : memref<512xi32, #tpu.memory_space<hbm>> -> memref<32xi32, #tpu.memory_space<hbm>>
      tpu.wait_dma2 semaphore(%run_scoped3A : memref<!tpu.dma_semaphore, #tpu.memory_space<semaphore_mem>>) src(%dma_wait3A_545 : memref<32xi32, #tpu.memory_space<hbm>>) dst(%arg5 : memref<32xi32, #tpu.memory_space<vmem>>)
      tpu.yield
    }) : () -> ()
    %mul3A_3 = arith.constant 32 : i32
    %mul3A_4 = arith.muli %add3A, %mul3A_3 : i32
    "tpu.region"() ({
      %run_scoped3A = tpu.sem_alloc : memref<!tpu.dma_semaphore, #tpu.memory_space<semaphore_mem>>
      %dma_start3A = tpu.memref_slice %arg3[%mul3A_4] : memref<512xf32, #tpu.memory_space<hbm>> -> memref<32xf32, #tpu.memory_space<hbm>>
      %dma_start3A_544 = tpu.memref_slice %arg3[%mul3A_4] : memref<512xf32, #tpu.memory_space<hbm>> -> memref<32xf32, #tpu.memory_space<hbm>>
      tpu.enqueue_dma source(%dma_start3A_544 : memref<32xf32, #tpu.memory_space<hbm>>) target(%arg6 : memref<32xf32, #tpu.memory_space<vmem>>) target_semaphore(%run_scoped3A : memref<!tpu.dma_semaphore, #tpu.memory_space<semaphore_mem>>)
      %dma_wait3A = tpu.memref_slice %arg3[%mul3A_4] : memref<512xf32, #tpu.memory_space<hbm>> -> memref<32xf32, #tpu.memory_space<hbm>>
      %dma_wait3A_545 = tpu.memref_slice %arg3[%mul3A_4] : memref<512xf32, #tpu.memory_space<hbm>> -> memref<32xf32, #tpu.memory_space<hbm>>
      tpu.wait_dma2 semaphore(%run_scoped3A : memref<!tpu.dma_semaphore, #tpu.memory_space<semaphore_mem>>) src(%dma_wait3A_545 : memref<32xf32, #tpu.memory_space<hbm>>) dst(%arg6 : memref<32xf32, #tpu.memory_space<vmem>>)
      tpu.yield
    }) : () -> ()
    %broadcast_in_dim3A = arith.constant 0.000000e+00 : f32
    %broadcast_in_dim3A_5 = vector.broadcast %broadcast_in_dim3A : f32 to vector<16xf32>
    %swap3A = arith.constant 0 : index
    %swap3A_6 = tpu.vector_load %arg7[%swap3A] {strides = array<i32>} : memref<256xf32, #tpu.memory_space<vmem>>, vector<16xf32>,
    tpu.vector_store %arg7[%swap3A], %broadcast_in_dim3A_5 {strides = array<i32>} : memref<256xf32, #tpu.memory_space<vmem>>, vector<16xf32>,
    %broadcast_in_dim3A_7 = arith.constant 0.000000e+00 : f32
    %broadcast_in_dim3A_8 = vector.broadcast %broadcast_in_dim3A_7 : f32 to vector<16xf32>
    %swap3A_9 = arith.constant 16 : index
    %swap3A_10 = tpu.vector_load %arg7[%swap3A_9] {strides = array<i32>} : memref<256xf32, #tpu.memory_space<vmem>>, vector<16xf32>,
    tpu.vector_store %arg7[%swap3A_9], %broadcast_in_dim3A_8 {strides = array<i32>} : memref<256xf32, #tpu.memory_space<vmem>>, vector<16xf32>,
    %broadcast_in_dim3A_11 = arith.constant 0.000000e+00 : f32
    %broadcast_in_dim3A_12 = vector.broadcast %broadcast_in_dim3A_11 : f32 to vector<16xf32>
    %swap3A_13 = arith.constant 32 : index
    %swap3A_14 = tpu.vector_load %arg7[%swap3A_13] {strides = array<i32>} : memref<256xf32, #tpu.memory_space<vmem>>, vector<16xf32>,
    tpu.vector_store %arg7[%swap3A_13], %broadcast_in_dim3A_12 {strides = array<i32>} : memref<256xf32, #tpu.memory_space<vmem>>, vector<16xf32>,
    %broadcast_in_dim3A_15 = arith.constant 0.000000e+00 : f32
    %broadcast_in_dim3A_16 = vector.broadcast %broadcast_in_dim3A_15 : f32 to vector<16xf32>
    %swap3A_17 = arith.constant 48 : index
    %swap3A_18 = tpu.vector_load %arg7[%swap3A_17] {strides = array<i32>} : memref<256xf32, #tpu.memory_space<vmem>>, vector<16xf32>,
    tpu.vector_store %arg7[%swap3A_17], %broadcast_in_dim3A_16 {strides = array<i32>} : memref<256xf32, #tpu.memory_space<vmem>>, vector<16xf32>,
    %broadcast_in_dim3A_19 = arith.constant 0.000000e+00 : f32
    %broadcast_in_dim3A_20 = vector.broadcast %broadcast_in_dim3A_19 : f32 to vector<16xf32>
    %swap3A_21 = arith.constant 64 : index
    %swap3A_22 = tpu.vector_load %arg7[%swap3A_21] {strides = array<i32>} : memref<256xf32, #tpu.memory_space<vmem>>, vector<16xf32>,
    tpu.vector_store %arg7[%swap3A_21], %broadcast_in_dim3A_20 {strides = array<i32>} : memref<256xf32, #tpu.memory_space<vmem>>, vector<16xf32>,
    %broadcast_in_dim3A_23 = arith.constant 0.000000e+00 : f32
    %broadcast_in_dim3A_24 = vector.broadcast %broadcast_in_dim3A_23 : f32 to vector<16xf32>
    %swap3A_25 = arith.constant 80 : index
    %swap3A_26 = tpu.vector_load %arg7[%swap3A_25] {strides = array<i32>} : memref<256xf32, #tpu.memory_space<vmem>>, vector<16xf32>,
    tpu.vector_store %arg7[%swap3A_25], %broadcast_in_dim3A_24 {strides = array<i32>} : memref<256xf32, #tpu.memory_space<vmem>>, vector<16xf32>,
    %broadcast_in_dim3A_27 = arith.constant 0.000000e+00 : f32
    %broadcast_in_dim3A_28 = vector.broadcast %broadcast_in_dim3A_27 : f32 to vector<16xf32>
    %swap3A_29 = arith.constant 96 : index
    %swap3A_30 = tpu.vector_load %arg7[%swap3A_29] {strides = array<i32>} : memref<256xf32, #tpu.memory_space<vmem>>, vector<16xf32>,
    tpu.vector_store %arg7[%swap3A_29], %broadcast_in_dim3A_28 {strides = array<i32>} : memref<256xf32, #tpu.memory_space<vmem>>, vector<16xf32>,
    %broadcast_in_dim3A_31 = arith.constant 0.000000e+00 : f32
    %broadcast_in_dim3A_32 = vector.broadcast %broadcast_in_dim3A_31 : f32 to vector<16xf32>
    %swap3A_33 = arith.constant 112 : index
    %swap3A_34 = tpu.vector_load %arg7[%swap3A_33] {strides = array<i32>} : memref<256xf32, #tpu.memory_space<vmem>>, vector<16xf32>,
    tpu.vector_store %arg7[%swap3A_33], %broadcast_in_dim3A_32 {strides = array<i32>} : memref<256xf32, #tpu.memory_space<vmem>>, vector<16xf32>,
    %broadcast_in_dim3A_35 = arith.constant 0.000000e+00 : f32
    %broadcast_in_dim3A_36 = vector.broadcast %broadcast_in_dim3A_35 : f32 to vector<16xf32>
    %swap3A_37 = arith.constant 128 : index
    %swap3A_38 = tpu.vector_load %arg7[%swap3A_37] {strides = array<i32>} : memref<256xf32, #tpu.memory_space<vmem>>, vector<16xf32>,
    tpu.vector_store %arg7[%swap3A_37], %broadcast_in_dim3A_36 {strides = array<i32>} : memref<256xf32, #tpu.memory_space<vmem>>, vector<16xf32>,
    %broadcast_in_dim3A_39 = arith.constant 0.000000e+00 : f32
    %broadcast_in_dim3A_40 = vector.broadcast %broadcast_in_dim3A_39 : f32 to vector<16xf32>
    %swap3A_41 = arith.constant 144 : index
    %swap3A_42 = tpu.vector_load %arg7[%swap3A_41] {strides = array<i32>} : memref<256xf32, #tpu.memory_space<vmem>>, vector<16xf32>,
    tpu.vector_store %arg7[%swap3A_41], %broadcast_in_dim3A_40 {strides = array<i32>} : memref<256xf32, #tpu.memory_space<vmem>>, vector<16xf32>,
    %broadcast_in_dim3A_43 = arith.constant 0.000000e+00 : f32
    %broadcast_in_dim3A_44 = vector.broadcast %broadcast_in_dim3A_43 : f32 to vector<16xf32>
    %swap3A_45 = arith.constant 160 : index
    %swap3A_46 = tpu.vector_load %arg7[%swap3A_45] {strides = array<i32>} : memref<256xf32, #tpu.memory_space<vmem>>, vector<16xf32>,
    tpu.vector_store %arg7[%swap3A_45], %broadcast_in_dim3A_44 {strides = array<i32>} : memref<256xf32, #tpu.memory_space<vmem>>, vector<16xf32>,
    %broadcast_in_dim3A_47 = arith.constant 0.000000e+00 : f32
    %broadcast_in_dim3A_48 = vector.broadcast %broadcast_in_dim3A_47 : f32 to vector<16xf32>
    %swap3A_49 = arith.constant 176 : index
    %swap3A_50 = tpu.vector_load %arg7[%swap3A_49] {strides = array<i32>} : memref<256xf32, #tpu.memory_space<vmem>>, vector<16xf32>,
    tpu.vector_store %arg7[%swap3A_49], %broadcast_in_dim3A_48 {strides = array<i32>} : memref<256xf32, #tpu.memory_space<vmem>>, vector<16xf32>,
    %broadcast_in_dim3A_51 = arith.constant 0.000000e+00 : f32
    %broadcast_in_dim3A_52 = vector.broadcast %broadcast_in_dim3A_51 : f32 to vector<16xf32>
    %swap3A_53 = arith.constant 192 : index
    %swap3A_54 = tpu.vector_load %arg7[%swap3A_53] {strides = array<i32>} : memref<256xf32, #tpu.memory_space<vmem>>, vector<16xf32>,
    tpu.vector_store %arg7[%swap3A_53], %broadcast_in_dim3A_52 {strides = array<i32>} : memref<256xf32, #tpu.memory_space<vmem>>, vector<16xf32>,
    %broadcast_in_dim3A_55 = arith.constant 0.000000e+00 : f32
    %broadcast_in_dim3A_56 = vector.broadcast %broadcast_in_dim3A_55 : f32 to vector<16xf32>
    %swap3A_57 = arith.constant 208 : index
    %swap3A_58 = tpu.vector_load %arg7[%swap3A_57] {strides = array<i32>} : memref<256xf32, #tpu.memory_space<vmem>>, vector<16xf32>,
    tpu.vector_store %arg7[%swap3A_57], %broadcast_in_dim3A_56 {strides = array<i32>} : memref<256xf32, #tpu.memory_space<vmem>>, vector<16xf32>,
    %broadcast_in_dim3A_59 = arith.constant 0.000000e+00 : f32
    %broadcast_in_dim3A_60 = vector.broadcast %broadcast_in_dim3A_59 : f32 to vector<16xf32>
    %swap3A_61 = arith.constant 224 : index
    %swap3A_62 = tpu.vector_load %arg7[%swap3A_61] {strides = array<i32>} : memref<256xf32, #tpu.memory_space<vmem>>, vector<16xf32>,
    tpu.vector_store %arg7[%swap3A_61], %broadcast_in_dim3A_60 {strides = array<i32>} : memref<256xf32, #tpu.memory_space<vmem>>, vector<16xf32>,
    %broadcast_in_dim3A_63 = arith.constant 0.000000e+00 : f32
    %broadcast_in_dim3A_64 = vector.broadcast %broadcast_in_dim3A_63 : f32 to vector<16xf32>
    %swap3A_65 = arith.constant 240 : index
    %swap3A_66 = tpu.vector_load %arg7[%swap3A_65] {strides = array<i32>} : memref<256xf32, #tpu.memory_space<vmem>>, vector<16xf32>,
    tpu.vector_store %arg7[%swap3A_65], %broadcast_in_dim3A_64 {strides = array<i32>} : memref<256xf32, #tpu.memory_space<vmem>>, vector<16xf32>,
    %iota3A = tpu.iota {dimensions = array<i32: 0>} : vector<16xi32>
    %add3A_67 = arith.constant 0 : i32
    %add3A_68 = vector.broadcast %add3A_67 : i32 to vector<16xi32>
    %add3A_69 = arith.addi %iota3A, %add3A_68 : vector<16xi32>
    %jit3A = arith.constant 8 : i32
    %div3A = vector.broadcast %jit3A : i32 to vector<16xi32>
    %div3A_70 = arith.divsi %add3A_69, %div3A : vector<16xi32>
    %sign3A = arith.constant 0 : i32
    %sign3A_71 = vector.broadcast %sign3A : i32 to vector<16xi32>
    %sign3A_72 = arith.cmpi sgt, %add3A_69, %sign3A_71 : vector<16xi32>
    %sign3A_73 = arith.extui %sign3A_72 : vector<16xi1> to vector<16xi32>
    %sign3A_74 = arith.constant 0 : i32
    %sign3A_75 = vector.broadcast %sign3A_74 : i32 to vector<16xi32>
    %sign3A_76 = arith.cmpi slt, %add3A_69, %sign3A_75 : vector<16xi32>
    %sign3A_77 = arith.extui %sign3A_76 : vector<16xi1> to vector<16xi32>
    %sign3A_78 = arith.subi %sign3A_73, %sign3A_77 : vector<16xi32>
    %sign3A_79 = arith.constant 0 : i32
    %sign3A_80 = arith.cmpi sgt, %jit3A, %sign3A_79 : i32
    %sign3A_81 = arith.extui %sign3A_80 : i1 to i32
    %sign3A_82 = arith.constant 0 : i32
    %sign3A_83 = arith.cmpi slt, %jit3A, %sign3A_82 : i32
    %sign3A_84 = arith.extui %sign3A_83 : i1 to i32
    %sign3A_85 = arith.subi %sign3A_81, %sign3A_84 : i32
    %ne3A = vector.broadcast %sign3A_85 : i32 to vector<16xi32>
    %ne3A_86 = arith.cmpi ne, %sign3A_78, %ne3A : vector<16xi32>
    %rem3A = vector.broadcast %jit3A : i32 to vector<16xi32>
    %rem3A_87 = arith.remsi %add3A_69, %rem3A : vector<16xi32>
    %ne3A_88 = arith.constant 0 : i32
    %ne3A_89 = vector.broadcast %ne3A_88 : i32 to vector<16xi32>
    %ne3A_90 = arith.cmpi ne, %rem3A_87, %ne3A_89 : vector<16xi32>
    %and3A = arith.andi %ne3A_86, %ne3A_90 : vector<16xi1>
    %sub3A = arith.constant 1 : i32
    %sub3A_91 = vector.broadcast %sub3A : i32 to vector<16xi32>
    %sub3A_92 = arith.subi %div3A_70, %sub3A_91 : vector<16xi32>
    %select_n3A = arith.select %and3A, %sub3A_92, %div3A_70 : vector<16xi1>, vector<16xi32>
    %mul3A_93 = arith.constant 64 : i32
    %mul3A_94 = vector.broadcast %mul3A_93 : i32 to vector<16xi32>
    %mul3A_95 = arith.muli %select_n3A, %mul3A_94 : vector<16xi32>
    %get3A = arith.constant 0 : index
    %get3A_96 = tpu.vector_load %arg5[%get3A] {strides = array<i32>} : memref<32xi32, #tpu.memory_space<vmem>>, vector<16xi32>,
    %add3A_97 = arith.addi %mul3A_95, %get3A_96 : vector<16xi32>
    %get3A_98 = arith.constant 0 : index
    %get3A_99 = tpu.vector_load %arg6[%get3A_98] {strides = array<i32>} : memref<32xf32, #tpu.memory_space<vmem>>, vector<16xf32>,
    %jit3A_100 = arith.constant 8 : i32
    %eq3A = arith.constant 0 : i32
    %eq3A_101 = arith.cmpi eq, %jit3A_100, %eq3A : i32
    %jit3A_102 = arith.constant 1 : i32
    %select_n3A_103 = arith.select %eq3A_101, %jit3A_102, %jit3A_100 : i32
    %rem3A_104 = vector.broadcast %select_n3A_103 : i32 to vector<16xi32>
    %rem3A_105 = arith.remsi %iota3A, %rem3A_104 : vector<16xi32>
    %ne3A_106 = arith.constant 0 : i32
    %ne3A_107 = vector.broadcast %ne3A_106 : i32 to vector<16xi32>
    %ne3A_108 = arith.cmpi ne, %rem3A_105, %ne3A_107 : vector<16xi32>
    %lt3A = arith.constant 0 : i32
    %lt3A_109 = vector.broadcast %lt3A : i32 to vector<16xi32>
    %lt3A_110 = arith.cmpi slt, %rem3A_105, %lt3A_109 : vector<16xi32>
    %lt3A_111 = arith.constant 0 : i32
    %lt3A_112 = arith.cmpi slt, %select_n3A_103, %lt3A_111 : i32
    %ne3A_113 = vector.broadcast %lt3A_112 : i1 to vector<16xi1>
    %ne3A_114 = vector.broadcast %ne3A_113 : vector<16xi1> to vector<16xi1>
    %ne3A_115 = arith.xori %lt3A_110, %ne3A_114 : vector<16xi1>
    %and3A_116 = arith.andi %ne3A_115, %ne3A_108 : vector<16xi1>
    %add3A_117 = vector.broadcast %select_n3A_103 : i32 to vector<16xi32>
    %add3A_118 = arith.addi %rem3A_105, %add3A_117 : vector<16xi32>
    %select_n3A_119 = arith.select %and3A_116, %add3A_118, %rem3A_105 : vector<16xi1>, vector<16xi32>
    %eq3A_120 = arith.constant 0 : i32
    %eq3A_121 = vector.broadcast %eq3A_120 : i32 to vector<16xi32>
    %eq3A_122 = arith.cmpi eq, %select_n3A_119, %eq3A_121 : vector<16xi32>
    tpu.vector_store_idx %arg7[%add3A_97], %get3A_99 masked %eq3A_122 {add = true} : memref<256xf32, #tpu.memory_space<vmem>>[vector<16xi32>], vector<16xf32>, vector<16xi1>
    %jit3A_123 = arith.constant 8 : i32
    %eq3A_124 = arith.constant 0 : i32
    %eq3A_125 = arith.cmpi eq, %jit3A_123, %eq3A_124 : i32
    %jit3A_126 = arith.constant 1 : i32
    %select_n3A_127 = arith.select %eq3A_125, %jit3A_126, %jit3A_123 : i32
    %rem3A_128 = vector.broadcast %select_n3A_127 : i32 to vector<16xi32>
    %rem3A_129 = arith.remsi %iota3A, %rem3A_128 : vector<16xi32>
    %ne3A_130 = arith.constant 0 : i32
    %ne3A_131 = vector.broadcast %ne3A_130 : i32 to vector<16xi32>
    %ne3A_132 = arith.cmpi ne, %rem3A_129, %ne3A_131 : vector<16xi32>
    %lt3A_133 = arith.constant 0 : i32
    %lt3A_134 = vector.broadcast %lt3A_133 : i32 to vector<16xi32>
    %lt3A_135 = arith.cmpi slt, %rem3A_129, %lt3A_134 : vector<16xi32>
    %lt3A_136 = arith.constant 0 : i32
    %lt3A_137 = arith.cmpi slt, %select_n3A_127, %lt3A_136 : i32
    %ne3A_138 = vector.broadcast %lt3A_137 : i1 to vector<16xi1>
    %ne3A_139 = vector.broadcast %ne3A_138 : vector<16xi1> to vector<16xi1>
    %ne3A_140 = arith.xori %lt3A_135, %ne3A_139 : vector<16xi1>
    %and3A_141 = arith.andi %ne3A_140, %ne3A_132 : vector<16xi1>
    %add3A_142 = vector.broadcast %select_n3A_127 : i32 to vector<16xi32>
    %add3A_143 = arith.addi %rem3A_129, %add3A_142 : vector<16xi32>
    %select_n3A_144 = arith.select %and3A_141, %add3A_143, %rem3A_129 : vector<16xi1>, vector<16xi32>
    %eq3A_145 = arith.constant 1 : i32
    %eq3A_146 = vector.broadcast %eq3A_145 : i32 to vector<16xi32>
    %eq3A_147 = arith.cmpi eq, %select_n3A_144, %eq3A_146 : vector<16xi32>
    tpu.vector_store_idx %arg7[%add3A_97], %get3A_99 masked %eq3A_147 {add = true} : memref<256xf32, #tpu.memory_space<vmem>>[vector<16xi32>], vector<16xf32>, vector<16xi1>
    %jit3A_148 = arith.constant 8 : i32
    %eq3A_149 = arith.constant 0 : i32
    %eq3A_150 = arith.cmpi eq, %jit3A_148, %eq3A_149 : i32
    %jit3A_151 = arith.constant 1 : i32
    %select_n3A_152 = arith.select %eq3A_150, %jit3A_151, %jit3A_148 : i32
    %rem3A_153 = vector.broadcast %select_n3A_152 : i32 to vector<16xi32>
    %rem3A_154 = arith.remsi %iota3A, %rem3A_153 : vector<16xi32>
    %ne3A_155 = arith.constant 0 : i32
    %ne3A_156 = vector.broadcast %ne3A_155 : i32 to vector<16xi32>
    %ne3A_157 = arith.cmpi ne, %rem3A_154, %ne3A_156 : vector<16xi32>
    %lt3A_158 = arith.constant 0 : i32
    %lt3A_159 = vector.broadcast %lt3A_158 : i32 to vector<16xi32>
    %lt3A_160 = arith.cmpi slt, %rem3A_154, %lt3A_159 : vector<16xi32>
    %lt3A_161 = arith.constant 0 : i32
    %lt3A_162 = arith.cmpi slt, %select_n3A_152, %lt3A_161 : i32
    %ne3A_163 = vector.broadcast %lt3A_162 : i1 to vector<16xi1>
    %ne3A_164 = vector.broadcast %ne3A_163 : vector<16xi1> to vector<16xi1>
    %ne3A_165 = arith.xori %lt3A_160, %ne3A_164 : vector<16xi1>
    %and3A_166 = arith.andi %ne3A_165, %ne3A_157 : vector<16xi1>
    %add3A_167 = vector.broadcast %select_n3A_152 : i32 to vector<16xi32>
    %add3A_168 = arith.addi %rem3A_154, %add3A_167 : vector<16xi32>
    %select_n3A_169 = arith.select %and3A_166, %add3A_168, %rem3A_154 : vector<16xi1>, vector<16xi32>
    %eq3A_170 = arith.constant 2 : i32
    %eq3A_171 = vector.broadcast %eq3A_170 : i32 to vector<16xi32>
    %eq3A_172 = arith.cmpi eq, %select_n3A_169, %eq3A_171 : vector<16xi32>
    tpu.vector_store_idx %arg7[%add3A_97], %get3A_99 masked %eq3A_172 {add = true} : memref<256xf32, #tpu.memory_space<vmem>>[vector<16xi32>], vector<16xf32>, vector<16xi1>
    %jit3A_173 = arith.constant 8 : i32
    %eq3A_174 = arith.constant 0 : i32
    %eq3A_175 = arith.cmpi eq, %jit3A_173, %eq3A_174 : i32
    %jit3A_176 = arith.constant 1 : i32
    %select_n3A_177 = arith.select %eq3A_175, %jit3A_176, %jit3A_173 : i32
    %rem3A_178 = vector.broadcast %select_n3A_177 : i32 to vector<16xi32>
    %rem3A_179 = arith.remsi %iota3A, %rem3A_178 : vector<16xi32>
    %ne3A_180 = arith.constant 0 : i32
    %ne3A_181 = vector.broadcast %ne3A_180 : i32 to vector<16xi32>
    %ne3A_182 = arith.cmpi ne, %rem3A_179, %ne3A_181 : vector<16xi32>
    %lt3A_183 = arith.constant 0 : i32
    %lt3A_184 = vector.broadcast %lt3A_183 : i32 to vector<16xi32>
    %lt3A_185 = arith.cmpi slt, %rem3A_179, %lt3A_184 : vector<16xi32>
    %lt3A_186 = arith.constant 0 : i32
    %lt3A_187 = arith.cmpi slt, %select_n3A_177, %lt3A_186 : i32
    %ne3A_188 = vector.broadcast %lt3A_187 : i1 to vector<16xi1>
    %ne3A_189 = vector.broadcast %ne3A_188 : vector<16xi1> to vector<16xi1>
    %ne3A_190 = arith.xori %lt3A_185, %ne3A_189 : vector<16xi1>
    %and3A_191 = arith.andi %ne3A_190, %ne3A_182 : vector<16xi1>
    %add3A_192 = vector.broadcast %select_n3A_177 : i32 to vector<16xi32>
    %add3A_193 = arith.addi %rem3A_179, %add3A_192 : vector<16xi32>
    %select_n3A_194 = arith.select %and3A_191, %add3A_193, %rem3A_179 : vector<16xi1>, vector<16xi32>
    %eq3A_195 = arith.constant 3 : i32
    %eq3A_196 = vector.broadcast %eq3A_195 : i32 to vector<16xi32>
    %eq3A_197 = arith.cmpi eq, %select_n3A_194, %eq3A_196 : vector<16xi32>
    tpu.vector_store_idx %arg7[%add3A_97], %get3A_99 masked %eq3A_197 {add = true} : memref<256xf32, #tpu.memory_space<vmem>>[vector<16xi32>], vector<16xf32>, vector<16xi1>
    %jit3A_198 = arith.constant 8 : i32
    %eq3A_199 = arith.constant 0 : i32
    %eq3A_200 = arith.cmpi eq, %jit3A_198, %eq3A_199 : i32
    %jit3A_201 = arith.constant 1 : i32
    %select_n3A_202 = arith.select %eq3A_200, %jit3A_201, %jit3A_198 : i32
    %rem3A_203 = vector.broadcast %select_n3A_202 : i32 to vector<16xi32>
    %rem3A_204 = arith.remsi %iota3A, %rem3A_203 : vector<16xi32>
    %ne3A_205 = arith.constant 0 : i32
    %ne3A_206 = vector.broadcast %ne3A_205 : i32 to vector<16xi32>
    %ne3A_207 = arith.cmpi ne, %rem3A_204, %ne3A_206 : vector<16xi32>
    %lt3A_208 = arith.constant 0 : i32
    %lt3A_209 = vector.broadcast %lt3A_208 : i32 to vector<16xi32>
    %lt3A_210 = arith.cmpi slt, %rem3A_204, %lt3A_209 : vector<16xi32>
    %lt3A_211 = arith.constant 0 : i32
    %lt3A_212 = arith.cmpi slt, %select_n3A_202, %lt3A_211 : i32
    %ne3A_213 = vector.broadcast %lt3A_212 : i1 to vector<16xi1>
    %ne3A_214 = vector.broadcast %ne3A_213 : vector<16xi1> to vector<16xi1>
    %ne3A_215 = arith.xori %lt3A_210, %ne3A_214 : vector<16xi1>
    %and3A_216 = arith.andi %ne3A_215, %ne3A_207 : vector<16xi1>
    %add3A_217 = vector.broadcast %select_n3A_202 : i32 to vector<16xi32>
    %add3A_218 = arith.addi %rem3A_204, %add3A_217 : vector<16xi32>
    %select_n3A_219 = arith.select %and3A_216, %add3A_218, %rem3A_204 : vector<16xi1>, vector<16xi32>
    %eq3A_220 = arith.constant 4 : i32
    %eq3A_221 = vector.broadcast %eq3A_220 : i32 to vector<16xi32>
    %eq3A_222 = arith.cmpi eq, %select_n3A_219, %eq3A_221 : vector<16xi32>
    tpu.vector_store_idx %arg7[%add3A_97], %get3A_99 masked %eq3A_222 {add = true} : memref<256xf32, #tpu.memory_space<vmem>>[vector<16xi32>], vector<16xf32>, vector<16xi1>
    %jit3A_223 = arith.constant 8 : i32
    %eq3A_224 = arith.constant 0 : i32
    %eq3A_225 = arith.cmpi eq, %jit3A_223, %eq3A_224 : i32
    %jit3A_226 = arith.constant 1 : i32
    %select_n3A_227 = arith.select %eq3A_225, %jit3A_226, %jit3A_223 : i32
    %rem3A_228 = vector.broadcast %select_n3A_227 : i32 to vector<16xi32>
    %rem3A_229 = arith.remsi %iota3A, %rem3A_228 : vector<16xi32>
    %ne3A_230 = arith.constant 0 : i32
    %ne3A_231 = vector.broadcast %ne3A_230 : i32 to vector<16xi32>
    %ne3A_232 = arith.cmpi ne, %rem3A_229, %ne3A_231 : vector<16xi32>
    %lt3A_233 = arith.constant 0 : i32
    %lt3A_234 = vector.broadcast %lt3A_233 : i32 to vector<16xi32>
    %lt3A_235 = arith.cmpi slt, %rem3A_229, %lt3A_234 : vector<16xi32>
    %lt3A_236 = arith.constant 0 : i32
    %lt3A_237 = arith.cmpi slt, %select_n3A_227, %lt3A_236 : i32
    %ne3A_238 = vector.broadcast %lt3A_237 : i1 to vector<16xi1>
    %ne3A_239 = vector.broadcast %ne3A_238 : vector<16xi1> to vector<16xi1>
    %ne3A_240 = arith.xori %lt3A_235, %ne3A_239 : vector<16xi1>
    %and3A_241 = arith.andi %ne3A_240, %ne3A_232 : vector<16xi1>
    %add3A_242 = vector.broadcast %select_n3A_227 : i32 to vector<16xi32>
    %add3A_243 = arith.addi %rem3A_229, %add3A_242 : vector<16xi32>
    %select_n3A_244 = arith.select %and3A_241, %add3A_243, %rem3A_229 : vector<16xi1>, vector<16xi32>
    %eq3A_245 = arith.constant 5 : i32
    %eq3A_246 = vector.broadcast %eq3A_245 : i32 to vector<16xi32>
    %eq3A_247 = arith.cmpi eq, %select_n3A_244, %eq3A_246 : vector<16xi32>
    tpu.vector_store_idx %arg7[%add3A_97], %get3A_99 masked %eq3A_247 {add = true} : memref<256xf32, #tpu.memory_space<vmem>>[vector<16xi32>], vector<16xf32>, vector<16xi1>
    %jit3A_248 = arith.constant 8 : i32
    %eq3A_249 = arith.constant 0 : i32
    %eq3A_250 = arith.cmpi eq, %jit3A_248, %eq3A_249 : i32
    %jit3A_251 = arith.constant 1 : i32
    %select_n3A_252 = arith.select %eq3A_250, %jit3A_251, %jit3A_248 : i32
    %rem3A_253 = vector.broadcast %select_n3A_252 : i32 to vector<16xi32>
    %rem3A_254 = arith.remsi %iota3A, %rem3A_253 : vector<16xi32>
    %ne3A_255 = arith.constant 0 : i32
    %ne3A_256 = vector.broadcast %ne3A_255 : i32 to vector<16xi32>
    %ne3A_257 = arith.cmpi ne, %rem3A_254, %ne3A_256 : vector<16xi32>
    %lt3A_258 = arith.constant 0 : i32
    %lt3A_259 = vector.broadcast %lt3A_258 : i32 to vector<16xi32>
    %lt3A_260 = arith.cmpi slt, %rem3A_254, %lt3A_259 : vector<16xi32>
    %lt3A_261 = arith.constant 0 : i32
    %lt3A_262 = arith.cmpi slt, %select_n3A_252, %lt3A_261 : i32
    %ne3A_263 = vector.broadcast %lt3A_262 : i1 to vector<16xi1>
    %ne3A_264 = vector.broadcast %ne3A_263 : vector<16xi1> to vector<16xi1>
    %ne3A_265 = arith.xori %lt3A_260, %ne3A_264 : vector<16xi1>
    %and3A_266 = arith.andi %ne3A_265, %ne3A_257 : vector<16xi1>
    %add3A_267 = vector.broadcast %select_n3A_252 : i32 to vector<16xi32>
    %add3A_268 = arith.addi %rem3A_254, %add3A_267 : vector<16xi32>
    %select_n3A_269 = arith.select %and3A_266, %add3A_268, %rem3A_254 : vector<16xi1>, vector<16xi32>
    %eq3A_270 = arith.constant 6 : i32
    %eq3A_271 = vector.broadcast %eq3A_270 : i32 to vector<16xi32>
    %eq3A_272 = arith.cmpi eq, %select_n3A_269, %eq3A_271 : vector<16xi32>
    tpu.vector_store_idx %arg7[%add3A_97], %get3A_99 masked %eq3A_272 {add = true} : memref<256xf32, #tpu.memory_space<vmem>>[vector<16xi32>], vector<16xf32>, vector<16xi1>
    %jit3A_273 = arith.constant 8 : i32
    %eq3A_274 = arith.constant 0 : i32
    %eq3A_275 = arith.cmpi eq, %jit3A_273, %eq3A_274 : i32
    %jit3A_276 = arith.constant 1 : i32
    %select_n3A_277 = arith.select %eq3A_275, %jit3A_276, %jit3A_273 : i32
    %rem3A_278 = vector.broadcast %select_n3A_277 : i32 to vector<16xi32>
    %rem3A_279 = arith.remsi %iota3A, %rem3A_278 : vector<16xi32>
    %ne3A_280 = arith.constant 0 : i32
    %ne3A_281 = vector.broadcast %ne3A_280 : i32 to vector<16xi32>
    %ne3A_282 = arith.cmpi ne, %rem3A_279, %ne3A_281 : vector<16xi32>
    %lt3A_283 = arith.constant 0 : i32
    %lt3A_284 = vector.broadcast %lt3A_283 : i32 to vector<16xi32>
    %lt3A_285 = arith.cmpi slt, %rem3A_279, %lt3A_284 : vector<16xi32>
    %lt3A_286 = arith.constant 0 : i32
    %lt3A_287 = arith.cmpi slt, %select_n3A_277, %lt3A_286 : i32
    %ne3A_288 = vector.broadcast %lt3A_287 : i1 to vector<16xi1>
    %ne3A_289 = vector.broadcast %ne3A_288 : vector<16xi1> to vector<16xi1>
    %ne3A_290 = arith.xori %lt3A_285, %ne3A_289 : vector<16xi1>
    %and3A_291 = arith.andi %ne3A_290, %ne3A_282 : vector<16xi1>
    %add3A_292 = vector.broadcast %select_n3A_277 : i32 to vector<16xi32>
    %add3A_293 = arith.addi %rem3A_279, %add3A_292 : vector<16xi32>
    %select_n3A_294 = arith.select %and3A_291, %add3A_293, %rem3A_279 : vector<16xi1>, vector<16xi32>
    %eq3A_295 = arith.constant 7 : i32
    %eq3A_296 = vector.broadcast %eq3A_295 : i32 to vector<16xi32>
    %eq3A_297 = arith.cmpi eq, %select_n3A_294, %eq3A_296 : vector<16xi32>
    tpu.vector_store_idx %arg7[%add3A_97], %get3A_99 masked %eq3A_297 {add = true} : memref<256xf32, #tpu.memory_space<vmem>>[vector<16xi32>], vector<16xf32>, vector<16xi1>
    %add3A_298 = arith.constant 16 : i32
    %add3A_299 = vector.broadcast %add3A_298 : i32 to vector<16xi32>
    %add3A_300 = arith.addi %iota3A, %add3A_299 : vector<16xi32>
    %jit3A_301 = arith.constant 8 : i32
    %div3A_302 = vector.broadcast %jit3A_301 : i32 to vector<16xi32>
    %div3A_303 = arith.divsi %add3A_300, %div3A_302 : vector<16xi32>
    %sign3A_304 = arith.constant 0 : i32
    %sign3A_305 = vector.broadcast %sign3A_304 : i32 to vector<16xi32>
    %sign3A_306 = arith.cmpi sgt, %add3A_300, %sign3A_305 : vector<16xi32>
    %sign3A_307 = arith.extui %sign3A_306 : vector<16xi1> to vector<16xi32>
    %sign3A_308 = arith.constant 0 : i32
    %sign3A_309 = vector.broadcast %sign3A_308 : i32 to vector<16xi32>
    %sign3A_310 = arith.cmpi slt, %add3A_300, %sign3A_309 : vector<16xi32>
    %sign3A_311 = arith.extui %sign3A_310 : vector<16xi1> to vector<16xi32>
    %sign3A_312 = arith.subi %sign3A_307, %sign3A_311 : vector<16xi32>
    %sign3A_313 = arith.constant 0 : i32
    %sign3A_314 = arith.cmpi sgt, %jit3A_301, %sign3A_313 : i32
    %sign3A_315 = arith.extui %sign3A_314 : i1 to i32
    %sign3A_316 = arith.constant 0 : i32
    %sign3A_317 = arith.cmpi slt, %jit3A_301, %sign3A_316 : i32
    %sign3A_318 = arith.extui %sign3A_317 : i1 to i32
    %sign3A_319 = arith.subi %sign3A_315, %sign3A_318 : i32
    %ne3A_320 = vector.broadcast %sign3A_319 : i32 to vector<16xi32>
    %ne3A_321 = arith.cmpi ne, %sign3A_312, %ne3A_320 : vector<16xi32>
    %rem3A_322 = vector.broadcast %jit3A_301 : i32 to vector<16xi32>
    %rem3A_323 = arith.remsi %add3A_300, %rem3A_322 : vector<16xi32>
    %ne3A_324 = arith.constant 0 : i32
    %ne3A_325 = vector.broadcast %ne3A_324 : i32 to vector<16xi32>
    %ne3A_326 = arith.cmpi ne, %rem3A_323, %ne3A_325 : vector<16xi32>
    %and3A_327 = arith.andi %ne3A_321, %ne3A_326 : vector<16xi1>
    %sub3A_328 = arith.constant 1 : i32
    %sub3A_329 = vector.broadcast %sub3A_328 : i32 to vector<16xi32>
    %sub3A_330 = arith.subi %div3A_303, %sub3A_329 : vector<16xi32>
    %select_n3A_331 = arith.select %and3A_327, %sub3A_330, %div3A_303 : vector<16xi1>, vector<16xi32>
    %mul3A_332 = arith.constant 64 : i32
    %mul3A_333 = vector.broadcast %mul3A_332 : i32 to vector<16xi32>
    %mul3A_334 = arith.muli %select_n3A_331, %mul3A_333 : vector<16xi32>
    %get3A_335 = arith.constant 16 : index
    %get3A_336 = tpu.vector_load %arg5[%get3A_335] {strides = array<i32>} : memref<32xi32, #tpu.memory_space<vmem>>, vector<16xi32>,
    %add3A_337 = arith.addi %mul3A_334, %get3A_336 : vector<16xi32>
    %get3A_338 = arith.constant 16 : index
    %get3A_339 = tpu.vector_load %arg6[%get3A_338] {strides = array<i32>} : memref<32xf32, #tpu.memory_space<vmem>>, vector<16xf32>,
    %jit3A_340 = arith.constant 8 : i32
    %eq3A_341 = arith.constant 0 : i32
    %eq3A_342 = arith.cmpi eq, %jit3A_340, %eq3A_341 : i32
    %jit3A_343 = arith.constant 1 : i32
    %select_n3A_344 = arith.select %eq3A_342, %jit3A_343, %jit3A_340 : i32
    %rem3A_345 = vector.broadcast %select_n3A_344 : i32 to vector<16xi32>
    %rem3A_346 = arith.remsi %iota3A, %rem3A_345 : vector<16xi32>
    %ne3A_347 = arith.constant 0 : i32
    %ne3A_348 = vector.broadcast %ne3A_347 : i32 to vector<16xi32>
    %ne3A_349 = arith.cmpi ne, %rem3A_346, %ne3A_348 : vector<16xi32>
    %lt3A_350 = arith.constant 0 : i32
    %lt3A_351 = vector.broadcast %lt3A_350 : i32 to vector<16xi32>
    %lt3A_352 = arith.cmpi slt, %rem3A_346, %lt3A_351 : vector<16xi32>
    %lt3A_353 = arith.constant 0 : i32
    %lt3A_354 = arith.cmpi slt, %select_n3A_344, %lt3A_353 : i32
    %ne3A_355 = vector.broadcast %lt3A_354 : i1 to vector<16xi1>
    %ne3A_356 = vector.broadcast %ne3A_355 : vector<16xi1> to vector<16xi1>
    %ne3A_357 = arith.xori %lt3A_352, %ne3A_356 : vector<16xi1>
    %and3A_358 = arith.andi %ne3A_357, %ne3A_349 : vector<16xi1>
    %add3A_359 = vector.broadcast %select_n3A_344 : i32 to vector<16xi32>
    %add3A_360 = arith.addi %rem3A_346, %add3A_359 : vector<16xi32>
    %select_n3A_361 = arith.select %and3A_358, %add3A_360, %rem3A_346 : vector<16xi1>, vector<16xi32>
    %eq3A_362 = arith.constant 0 : i32
    %eq3A_363 = vector.broadcast %eq3A_362 : i32 to vector<16xi32>
    %eq3A_364 = arith.cmpi eq, %select_n3A_361, %eq3A_363 : vector<16xi32>
    tpu.vector_store_idx %arg7[%add3A_337], %get3A_339 masked %eq3A_364 {add = true} : memref<256xf32, #tpu.memory_space<vmem>>[vector<16xi32>], vector<16xf32>, vector<16xi1>
    %jit3A_365 = arith.constant 8 : i32
    %eq3A_366 = arith.constant 0 : i32
    %eq3A_367 = arith.cmpi eq, %jit3A_365, %eq3A_366 : i32
    %jit3A_368 = arith.constant 1 : i32
    %select_n3A_369 = arith.select %eq3A_367, %jit3A_368, %jit3A_365 : i32
    %rem3A_370 = vector.broadcast %select_n3A_369 : i32 to vector<16xi32>
    %rem3A_371 = arith.remsi %iota3A, %rem3A_370 : vector<16xi32>
    %ne3A_372 = arith.constant 0 : i32
    %ne3A_373 = vector.broadcast %ne3A_372 : i32 to vector<16xi32>
    %ne3A_374 = arith.cmpi ne, %rem3A_371, %ne3A_373 : vector<16xi32>
    %lt3A_375 = arith.constant 0 : i32
    %lt3A_376 = vector.broadcast %lt3A_375 : i32 to vector<16xi32>
    %lt3A_377 = arith.cmpi slt, %rem3A_371, %lt3A_376 : vector<16xi32>
    %lt3A_378 = arith.constant 0 : i32
    %lt3A_379 = arith.cmpi slt, %select_n3A_369, %lt3A_378 : i32
    %ne3A_380 = vector.broadcast %lt3A_379 : i1 to vector<16xi1>
    %ne3A_381 = vector.broadcast %ne3A_380 : vector<16xi1> to vector<16xi1>
    %ne3A_382 = arith.xori %lt3A_377, %ne3A_381 : vector<16xi1>
    %and3A_383 = arith.andi %ne3A_382, %ne3A_374 : vector<16xi1>
    %add3A_384 = vector.broadcast %select_n3A_369 : i32 to vector<16xi32>
    %add3A_385 = arith.addi %rem3A_371, %add3A_384 : vector<16xi32>
    %select_n3A_386 = arith.select %and3A_383, %add3A_385, %rem3A_371 : vector<16xi1>, vector<16xi32>
    %eq3A_387 = arith.constant 1 : i32
    %eq3A_388 = vector.broadcast %eq3A_387 : i32 to vector<16xi32>
    %eq3A_389 = arith.cmpi eq, %select_n3A_386, %eq3A_388 : vector<16xi32>
    tpu.vector_store_idx %arg7[%add3A_337], %get3A_339 masked %eq3A_389 {add = true} : memref<256xf32, #tpu.memory_space<vmem>>[vector<16xi32>], vector<16xf32>, vector<16xi1>
    %jit3A_390 = arith.constant 8 : i32
    %eq3A_391 = arith.constant 0 : i32
    %eq3A_392 = arith.cmpi eq, %jit3A_390, %eq3A_391 : i32
    %jit3A_393 = arith.constant 1 : i32
    %select_n3A_394 = arith.select %eq3A_392, %jit3A_393, %jit3A_390 : i32
    %rem3A_395 = vector.broadcast %select_n3A_394 : i32 to vector<16xi32>
    %rem3A_396 = arith.remsi %iota3A, %rem3A_395 : vector<16xi32>
    %ne3A_397 = arith.constant 0 : i32
    %ne3A_398 = vector.broadcast %ne3A_397 : i32 to vector<16xi32>
    %ne3A_399 = arith.cmpi ne, %rem3A_396, %ne3A_398 : vector<16xi32>
    %lt3A_400 = arith.constant 0 : i32
    %lt3A_401 = vector.broadcast %lt3A_400 : i32 to vector<16xi32>
    %lt3A_402 = arith.cmpi slt, %rem3A_396, %lt3A_401 : vector<16xi32>
    %lt3A_403 = arith.constant 0 : i32
    %lt3A_404 = arith.cmpi slt, %select_n3A_394, %lt3A_403 : i32
    %ne3A_405 = vector.broadcast %lt3A_404 : i1 to vector<16xi1>
    %ne3A_406 = vector.broadcast %ne3A_405 : vector<16xi1> to vector<16xi1>
    %ne3A_407 = arith.xori %lt3A_402, %ne3A_406 : vector<16xi1>
    %and3A_408 = arith.andi %ne3A_407, %ne3A_399 : vector<16xi1>
    %add3A_409 = vector.broadcast %select_n3A_394 : i32 to vector<16xi32>
    %add3A_410 = arith.addi %rem3A_396, %add3A_409 : vector<16xi32>
    %select_n3A_411 = arith.select %and3A_408, %add3A_410, %rem3A_396 : vector<16xi1>, vector<16xi32>
    %eq3A_412 = arith.constant 2 : i32
    %eq3A_413 = vector.broadcast %eq3A_412 : i32 to vector<16xi32>
    %eq3A_414 = arith.cmpi eq, %select_n3A_411, %eq3A_413 : vector<16xi32>
    tpu.vector_store_idx %arg7[%add3A_337], %get3A_339 masked %eq3A_414 {add = true} : memref<256xf32, #tpu.memory_space<vmem>>[vector<16xi32>], vector<16xf32>, vector<16xi1>
    %jit3A_415 = arith.constant 8 : i32
    %eq3A_416 = arith.constant 0 : i32
    %eq3A_417 = arith.cmpi eq, %jit3A_415, %eq3A_416 : i32
    %jit3A_418 = arith.constant 1 : i32
    %select_n3A_419 = arith.select %eq3A_417, %jit3A_418, %jit3A_415 : i32
    %rem3A_420 = vector.broadcast %select_n3A_419 : i32 to vector<16xi32>
    %rem3A_421 = arith.remsi %iota3A, %rem3A_420 : vector<16xi32>
    %ne3A_422 = arith.constant 0 : i32
    %ne3A_423 = vector.broadcast %ne3A_422 : i32 to vector<16xi32>
    %ne3A_424 = arith.cmpi ne, %rem3A_421, %ne3A_423 : vector<16xi32>
    %lt3A_425 = arith.constant 0 : i32
    %lt3A_426 = vector.broadcast %lt3A_425 : i32 to vector<16xi32>
    %lt3A_427 = arith.cmpi slt, %rem3A_421, %lt3A_426 : vector<16xi32>
    %lt3A_428 = arith.constant 0 : i32
    %lt3A_429 = arith.cmpi slt, %select_n3A_419, %lt3A_428 : i32
    %ne3A_430 = vector.broadcast %lt3A_429 : i1 to vector<16xi1>
    %ne3A_431 = vector.broadcast %ne3A_430 : vector<16xi1> to vector<16xi1>
    %ne3A_432 = arith.xori %lt3A_427, %ne3A_431 : vector<16xi1>
    %and3A_433 = arith.andi %ne3A_432, %ne3A_424 : vector<16xi1>
    %add3A_434 = vector.broadcast %select_n3A_419 : i32 to vector<16xi32>
    %add3A_435 = arith.addi %rem3A_421, %add3A_434 : vector<16xi32>
    %select_n3A_436 = arith.select %and3A_433, %add3A_435, %rem3A_421 : vector<16xi1>, vector<16xi32>
    %eq3A_437 = arith.constant 3 : i32
    %eq3A_438 = vector.broadcast %eq3A_437 : i32 to vector<16xi32>
    %eq3A_439 = arith.cmpi eq, %select_n3A_436, %eq3A_438 : vector<16xi32>
    tpu.vector_store_idx %arg7[%add3A_337], %get3A_339 masked %eq3A_439 {add = true} : memref<256xf32, #tpu.memory_space<vmem>>[vector<16xi32>], vector<16xf32>, vector<16xi1>
    %jit3A_440 = arith.constant 8 : i32
    %eq3A_441 = arith.constant 0 : i32
    %eq3A_442 = arith.cmpi eq, %jit3A_440, %eq3A_441 : i32
    %jit3A_443 = arith.constant 1 : i32
    %select_n3A_444 = arith.select %eq3A_442, %jit3A_443, %jit3A_440 : i32
    %rem3A_445 = vector.broadcast %select_n3A_444 : i32 to vector<16xi32>
    %rem3A_446 = arith.remsi %iota3A, %rem3A_445 : vector<16xi32>
    %ne3A_447 = arith.constant 0 : i32
    %ne3A_448 = vector.broadcast %ne3A_447 : i32 to vector<16xi32>
    %ne3A_449 = arith.cmpi ne, %rem3A_446, %ne3A_448 : vector<16xi32>
    %lt3A_450 = arith.constant 0 : i32
    %lt3A_451 = vector.broadcast %lt3A_450 : i32 to vector<16xi32>
    %lt3A_452 = arith.cmpi slt, %rem3A_446, %lt3A_451 : vector<16xi32>
    %lt3A_453 = arith.constant 0 : i32
    %lt3A_454 = arith.cmpi slt, %select_n3A_444, %lt3A_453 : i32
    %ne3A_455 = vector.broadcast %lt3A_454 : i1 to vector<16xi1>
    %ne3A_456 = vector.broadcast %ne3A_455 : vector<16xi1> to vector<16xi1>
    %ne3A_457 = arith.xori %lt3A_452, %ne3A_456 : vector<16xi1>
    %and3A_458 = arith.andi %ne3A_457, %ne3A_449 : vector<16xi1>
    %add3A_459 = vector.broadcast %select_n3A_444 : i32 to vector<16xi32>
    %add3A_460 = arith.addi %rem3A_446, %add3A_459 : vector<16xi32>
    %select_n3A_461 = arith.select %and3A_458, %add3A_460, %rem3A_446 : vector<16xi1>, vector<16xi32>
    %eq3A_462 = arith.constant 4 : i32
    %eq3A_463 = vector.broadcast %eq3A_462 : i32 to vector<16xi32>
    %eq3A_464 = arith.cmpi eq, %select_n3A_461, %eq3A_463 : vector<16xi32>
    tpu.vector_store_idx %arg7[%add3A_337], %get3A_339 masked %eq3A_464 {add = true} : memref<256xf32, #tpu.memory_space<vmem>>[vector<16xi32>], vector<16xf32>, vector<16xi1>
    %jit3A_465 = arith.constant 8 : i32
    %eq3A_466 = arith.constant 0 : i32
    %eq3A_467 = arith.cmpi eq, %jit3A_465, %eq3A_466 : i32
    %jit3A_468 = arith.constant 1 : i32
    %select_n3A_469 = arith.select %eq3A_467, %jit3A_468, %jit3A_465 : i32
    %rem3A_470 = vector.broadcast %select_n3A_469 : i32 to vector<16xi32>
    %rem3A_471 = arith.remsi %iota3A, %rem3A_470 : vector<16xi32>
    %ne3A_472 = arith.constant 0 : i32
    %ne3A_473 = vector.broadcast %ne3A_472 : i32 to vector<16xi32>
    %ne3A_474 = arith.cmpi ne, %rem3A_471, %ne3A_473 : vector<16xi32>
    %lt3A_475 = arith.constant 0 : i32
    %lt3A_476 = vector.broadcast %lt3A_475 : i32 to vector<16xi32>
    %lt3A_477 = arith.cmpi slt, %rem3A_471, %lt3A_476 : vector<16xi32>
    %lt3A_478 = arith.constant 0 : i32
    %lt3A_479 = arith.cmpi slt, %select_n3A_469, %lt3A_478 : i32
    %ne3A_480 = vector.broadcast %lt3A_479 : i1 to vector<16xi1>
    %ne3A_481 = vector.broadcast %ne3A_480 : vector<16xi1> to vector<16xi1>
    %ne3A_482 = arith.xori %lt3A_477, %ne3A_481 : vector<16xi1>
    %and3A_483 = arith.andi %ne3A_482, %ne3A_474 : vector<16xi1>
    %add3A_484 = vector.broadcast %select_n3A_469 : i32 to vector<16xi32>
    %add3A_485 = arith.addi %rem3A_471, %add3A_484 : vector<16xi32>
    %select_n3A_486 = arith.select %and3A_483, %add3A_485, %rem3A_471 : vector<16xi1>, vector<16xi32>
    %eq3A_487 = arith.constant 5 : i32
    %eq3A_488 = vector.broadcast %eq3A_487 : i32 to vector<16xi32>
    %eq3A_489 = arith.cmpi eq, %select_n3A_486, %eq3A_488 : vector<16xi32>
    tpu.vector_store_idx %arg7[%add3A_337], %get3A_339 masked %eq3A_489 {add = true} : memref<256xf32, #tpu.memory_space<vmem>>[vector<16xi32>], vector<16xf32>, vector<16xi1>
    %jit3A_490 = arith.constant 8 : i32
    %eq3A_491 = arith.constant 0 : i32
    %eq3A_492 = arith.cmpi eq, %jit3A_490, %eq3A_491 : i32
    %jit3A_493 = arith.constant 1 : i32
    %select_n3A_494 = arith.select %eq3A_492, %jit3A_493, %jit3A_490 : i32
    %rem3A_495 = vector.broadcast %select_n3A_494 : i32 to vector<16xi32>
    %rem3A_496 = arith.remsi %iota3A, %rem3A_495 : vector<16xi32>
    %ne3A_497 = arith.constant 0 : i32
    %ne3A_498 = vector.broadcast %ne3A_497 : i32 to vector<16xi32>
    %ne3A_499 = arith.cmpi ne, %rem3A_496, %ne3A_498 : vector<16xi32>
    %lt3A_500 = arith.constant 0 : i32
    %lt3A_501 = vector.broadcast %lt3A_500 : i32 to vector<16xi32>
    %lt3A_502 = arith.cmpi slt, %rem3A_496, %lt3A_501 : vector<16xi32>
    %lt3A_503 = arith.constant 0 : i32
    %lt3A_504 = arith.cmpi slt, %select_n3A_494, %lt3A_503 : i32
    %ne3A_505 = vector.broadcast %lt3A_504 : i1 to vector<16xi1>
    %ne3A_506 = vector.broadcast %ne3A_505 : vector<16xi1> to vector<16xi1>
    %ne3A_507 = arith.xori %lt3A_502, %ne3A_506 : vector<16xi1>
    %and3A_508 = arith.andi %ne3A_507, %ne3A_499 : vector<16xi1>
    %add3A_509 = vector.broadcast %select_n3A_494 : i32 to vector<16xi32>
    %add3A_510 = arith.addi %rem3A_496, %add3A_509 : vector<16xi32>
    %select_n3A_511 = arith.select %and3A_508, %add3A_510, %rem3A_496 : vector<16xi1>, vector<16xi32>
    %eq3A_512 = arith.constant 6 : i32
    %eq3A_513 = vector.broadcast %eq3A_512 : i32 to vector<16xi32>
    %eq3A_514 = arith.cmpi eq, %select_n3A_511, %eq3A_513 : vector<16xi32>
    tpu.vector_store_idx %arg7[%add3A_337], %get3A_339 masked %eq3A_514 {add = true} : memref<256xf32, #tpu.memory_space<vmem>>[vector<16xi32>], vector<16xf32>, vector<16xi1>
    %jit3A_515 = arith.constant 8 : i32
    %eq3A_516 = arith.constant 0 : i32
    %eq3A_517 = arith.cmpi eq, %jit3A_515, %eq3A_516 : i32
    %jit3A_518 = arith.constant 1 : i32
    %select_n3A_519 = arith.select %eq3A_517, %jit3A_518, %jit3A_515 : i32
    %rem3A_520 = vector.broadcast %select_n3A_519 : i32 to vector<16xi32>
    %rem3A_521 = arith.remsi %iota3A, %rem3A_520 : vector<16xi32>
    %ne3A_522 = arith.constant 0 : i32
    %ne3A_523 = vector.broadcast %ne3A_522 : i32 to vector<16xi32>
    %ne3A_524 = arith.cmpi ne, %rem3A_521, %ne3A_523 : vector<16xi32>
    %lt3A_525 = arith.constant 0 : i32
    %lt3A_526 = vector.broadcast %lt3A_525 : i32 to vector<16xi32>
    %lt3A_527 = arith.cmpi slt, %rem3A_521, %lt3A_526 : vector<16xi32>
    %lt3A_528 = arith.constant 0 : i32
    %lt3A_529 = arith.cmpi slt, %select_n3A_519, %lt3A_528 : i32
    %ne3A_530 = vector.broadcast %lt3A_529 : i1 to vector<16xi1>
    %ne3A_531 = vector.broadcast %ne3A_530 : vector<16xi1> to vector<16xi1>
    %ne3A_532 = arith.xori %lt3A_527, %ne3A_531 : vector<16xi1>
    %and3A_533 = arith.andi %ne3A_532, %ne3A_524 : vector<16xi1>
    %add3A_534 = vector.broadcast %select_n3A_519 : i32 to vector<16xi32>
    %add3A_535 = arith.addi %rem3A_521, %add3A_534 : vector<16xi32>
    %select_n3A_536 = arith.select %and3A_533, %add3A_535, %rem3A_521 : vector<16xi1>, vector<16xi32>
    %eq3A_537 = arith.constant 7 : i32
    %eq3A_538 = vector.broadcast %eq3A_537 : i32 to vector<16xi32>
    %eq3A_539 = arith.cmpi eq, %select_n3A_536, %eq3A_538 : vector<16xi32>
    tpu.vector_store_idx %arg7[%add3A_337], %get3A_339 masked %eq3A_539 {add = true} : memref<256xf32, #tpu.memory_space<vmem>>[vector<16xi32>], vector<16xf32>, vector<16xi1>
    %mul3A_540 = arith.constant 4 : i32
    %mul3A_541 = arith.muli %add3A, %mul3A_540 : i32
    %mul3A_542 = arith.constant 64 : i32
    %mul3A_543 = arith.muli %mul3A_541, %mul3A_542 : i32
    "tpu.region"() ({
      %run_scoped3A = tpu.sem_alloc : memref<!tpu.dma_semaphore, #tpu.memory_space<semaphore_mem>>
      %dma_start3A = tpu.memref_slice %arg4[%mul3A_543] : memref<4096xf32, #tpu.memory_space<hbm>> -> memref<256xf32, #tpu.memory_space<hbm>>
      %dma_start3A_544 = tpu.memref_slice %arg4[%mul3A_543] : memref<4096xf32, #tpu.memory_space<hbm>> -> memref<256xf32, #tpu.memory_space<hbm>>
      tpu.enqueue_dma source(%arg7 : memref<256xf32, #tpu.memory_space<vmem>>) target(%dma_start3A_544 : memref<256xf32, #tpu.memory_space<hbm>>) target_semaphore(%run_scoped3A : memref<!tpu.dma_semaphore, #tpu.memory_space<semaphore_mem>>)
      %dma_wait3A = tpu.memref_slice %arg4[%mul3A_543] : memref<4096xf32, #tpu.memory_space<hbm>> -> memref<256xf32, #tpu.memory_space<hbm>>
      %dma_wait3A_545 = tpu.memref_slice %arg4[%mul3A_543] : memref<4096xf32, #tpu.memory_space<hbm>> -> memref<256xf32, #tpu.memory_space<hbm>>
      tpu.wait_dma2 semaphore(%run_scoped3A : memref<!tpu.dma_semaphore, #tpu.memory_space<semaphore_mem>>) src(%arg7 : memref<256xf32, #tpu.memory_space<vmem>>) dst(%dma_wait3A_545 : memref<256xf32, #tpu.memory_space<hbm>>)
      tpu.yield
    }) : () -> ()
    return
  }
}

module attributes {stable_mosaic.version = 14 : i64} {
  func.func @_moe_body(%arg0: i32, %arg1: memref<64x64xf32, #tpu.memory_space<vmem>>, %arg2: memref<64x1024xf32, #tpu.memory_space<vmem>>, %arg3: memref<2x1024x1024xf32, #tpu.memory_space<vmem>>, %arg4: memref<2x1024x512xf32, #tpu.memory_space<vmem>>, %arg5: memref<64x1024xf32, #tpu.memory_space<vmem>>) attributes {dimension_semantics = [#tpu.dimension_semantics<arbitrary>], iteration_bounds = array<i64: 32>, scalar_prefetch = 0 : i64, scratch_operands = 0 : i64, tpu.core_type = #tpu.core_type<tc>, window_params = [{pipeline_mode = #tpu.pipeline_mode<synchronous>, transform_indices = @transform_0, window_bounds = array<i64: 64, 64>}, {pipeline_mode = #tpu.pipeline_mode<synchronous>, transform_indices = @transform_1, window_bounds = array<i64: 64, 1024>}, {transform_indices = @transform_2, window_bounds = array<i64: 2, 1024, 1024>}, {transform_indices = @transform_3, window_bounds = array<i64: 2, 1024, 512>}, {pipeline_mode = #tpu.pipeline_mode<synchronous>, transform_indices = @transform_4, window_bounds = array<i64: 64, 1024>}]} {
    %get3A = arith.constant 0 : index
    %get3A_0 = arith.constant 0 : index
    %get3A_1 = vector.load %arg2[%get3A, %get3A_0] : memref<64x1024xf32, #tpu.memory_space<vmem>>, vector<64x1024xf32>
    %get3A_2 = arith.constant 0 : index
    %get3A_3 = arith.constant 0 : index
    %get3A_4 = vector.load %arg1[%get3A_2, %get3A_3] : memref<64x64xf32, #tpu.memory_space<vmem>>, vector<64x64xf32>
    %iota3A = tpu.iota {dimensions = array<i32: 1>} : vector<64x64xi32>
    %broadcast_in_dim3A = arith.constant 0.000000e+00 : f32
    %broadcast_in_dim3A_5 = vector.broadcast %broadcast_in_dim3A : f32 to vector<64x1024xf32>
    %mul3A = arith.constant 2 : i32
    %mul3A_6 = arith.muli %arg0, %mul3A : i32
    %add3A = arith.constant 0 : i32
    %add3A_7 = arith.addi %mul3A_6, %add3A : i32
    %eq3A = vector.broadcast %add3A_7 : i32 to vector<64x64xi32>
    %eq3A_8 = arith.cmpi eq, %iota3A, %eq3A : vector<64x64xi32>
    %jit3A = arith.constant 0.000000e+00 : f32
    %broadcast_in_dim3A_9 = vector.broadcast %jit3A : f32 to vector<64x64xf32>
    %select_n3A = arith.select %eq3A_8, %get3A_4, %broadcast_in_dim3A_9 : vector<64x64xi1>, vector<64x64xf32>
    %reduce_sum3A = arith.constant dense<0.000000e+00> : vector<64xf32>
    %reduce_sum3A_10 = vector.multi_reduction <add>, %select_n3A, %reduce_sum3A [1] : vector<64x64xf32> to vector<64xf32>
    %get3A_11 = arith.constant 0 : index
    %get3A_12 = arith.constant 0 : index
    %get3A_13 = arith.constant 0 : index
    %get3A_14 = vector.load %arg3[%get3A_11, %get3A_12, %get3A_13] : memref<2x1024x1024xf32, #tpu.memory_space<vmem>>, vector<1x1024x1024xf32>
    %get3A_15 = vector.shape_cast %get3A_14 : vector<1x1024x1024xf32> to vector<1024x1024xf32>
    %dot_general3A = arith.constant dense<0.000000e+00> : vector<64x1024xf32>
    %dot_general3A_16 = tpu.matmul %get3A_1, %get3A_15, %dot_general3A {dimension_numbers = #tpu.dot_dimension_numbers<[1], [1], [0], [0], [0, 0, 1, 0], [], []>, transpose_lhs_hint = false} : vector<64x1024xf32>, vector<1024x1024xf32>, vector<64x1024xf32> -> vector<64x1024xf32>
    %slice3A = vector.extract_strided_slice %dot_general3A_16 {offsets = [0, 0], sizes = [64, 512], strides = [1, 1]} : vector<64x1024xf32> to vector<64x512xf32>
    %slice3A_17 = vector.extract_strided_slice %dot_general3A_16 {offsets = [0, 512], sizes = [64, 512], strides = [1, 1]} : vector<64x1024xf32> to vector<64x512xf32>
    %logistic3A = arith.negf %slice3A : vector<64x512xf32>
    %logistic3A_18 = math.exp %logistic3A : vector<64x512xf32>
    %logistic3A_19 = arith.constant 1.000000e+00 : f32
    %logistic3A_20 = vector.broadcast %logistic3A_19 : f32 to vector<64x512xf32>
    %logistic3A_21 = arith.addf %logistic3A_20, %logistic3A_18 : vector<64x512xf32>
    %logistic3A_22 = arith.divf %logistic3A_20, %logistic3A_21 : vector<64x512xf32>
    %mul3A_23 = arith.mulf %slice3A, %logistic3A_22 : vector<64x512xf32>
    %mul3A_24 = arith.mulf %mul3A_23, %slice3A_17 : vector<64x512xf32>
    %get3A_25 = arith.constant 0 : index
    %get3A_26 = arith.constant 0 : index
    %get3A_27 = arith.constant 0 : index
    %get3A_28 = vector.load %arg4[%get3A_25, %get3A_26, %get3A_27] : memref<2x1024x512xf32, #tpu.memory_space<vmem>>, vector<1x1024x512xf32>
    %get3A_29 = vector.shape_cast %get3A_28 : vector<1x1024x512xf32> to vector<1024x512xf32>
    %dot_general3A_30 = arith.constant dense<0.000000e+00> : vector<64x1024xf32>
    %dot_general3A_31 = tpu.matmul %mul3A_24, %get3A_29, %dot_general3A_30 {dimension_numbers = #tpu.dot_dimension_numbers<[1], [1], [0], [0], [0, 0, 1, 0], [], []>, transpose_lhs_hint = false} : vector<64x512xf32>, vector<1024x512xf32>, vector<64x1024xf32> -> vector<64x1024xf32>
    %broadcast_in_dim3A_32 = vector.shape_cast %reduce_sum3A_10 : vector<64xf32> to vector<64x1xf32>
    %mul3A_33 = vector.broadcast %broadcast_in_dim3A_32 : vector<64x1xf32> to vector<64x1024xf32>
    %mul3A_34 = arith.mulf %dot_general3A_31, %mul3A_33 : vector<64x1024xf32>
    %add3A_35 = arith.addf %broadcast_in_dim3A_5, %mul3A_34 : vector<64x1024xf32>
    %mul3A_36 = arith.constant 2 : i32
    %mul3A_37 = arith.muli %arg0, %mul3A_36 : i32
    %add3A_38 = arith.constant 1 : i32
    %add3A_39 = arith.addi %mul3A_37, %add3A_38 : i32
    %eq3A_40 = vector.broadcast %add3A_39 : i32 to vector<64x64xi32>
    %eq3A_41 = arith.cmpi eq, %iota3A, %eq3A_40 : vector<64x64xi32>
    %jit3A_42 = arith.constant 0.000000e+00 : f32
    %broadcast_in_dim3A_43 = vector.broadcast %jit3A_42 : f32 to vector<64x64xf32>
    %select_n3A_44 = arith.select %eq3A_41, %get3A_4, %broadcast_in_dim3A_43 : vector<64x64xi1>, vector<64x64xf32>
    %reduce_sum3A_45 = arith.constant dense<0.000000e+00> : vector<64xf32>
    %reduce_sum3A_46 = vector.multi_reduction <add>, %select_n3A_44, %reduce_sum3A_45 [1] : vector<64x64xf32> to vector<64xf32>
    %get3A_47 = arith.constant 1 : index
    %get3A_48 = arith.constant 0 : index
    %get3A_49 = arith.constant 0 : index
    %get3A_50 = vector.load %arg3[%get3A_47, %get3A_48, %get3A_49] : memref<2x1024x1024xf32, #tpu.memory_space<vmem>>, vector<1x1024x1024xf32>
    %get3A_51 = vector.shape_cast %get3A_50 : vector<1x1024x1024xf32> to vector<1024x1024xf32>
    %dot_general3A_52 = arith.constant dense<0.000000e+00> : vector<64x1024xf32>
    %dot_general3A_53 = tpu.matmul %get3A_1, %get3A_51, %dot_general3A_52 {dimension_numbers = #tpu.dot_dimension_numbers<[1], [1], [0], [0], [0, 0, 1, 0], [], []>, transpose_lhs_hint = false} : vector<64x1024xf32>, vector<1024x1024xf32>, vector<64x1024xf32> -> vector<64x1024xf32>
    %slice3A_54 = vector.extract_strided_slice %dot_general3A_53 {offsets = [0, 0], sizes = [64, 512], strides = [1, 1]} : vector<64x1024xf32> to vector<64x512xf32>
    %slice3A_55 = vector.extract_strided_slice %dot_general3A_53 {offsets = [0, 512], sizes = [64, 512], strides = [1, 1]} : vector<64x1024xf32> to vector<64x512xf32>
    %logistic3A_56 = arith.negf %slice3A_54 : vector<64x512xf32>
    %logistic3A_57 = math.exp %logistic3A_56 : vector<64x512xf32>
    %logistic3A_58 = arith.constant 1.000000e+00 : f32
    %logistic3A_59 = vector.broadcast %logistic3A_58 : f32 to vector<64x512xf32>
    %logistic3A_60 = arith.addf %logistic3A_59, %logistic3A_57 : vector<64x512xf32>
    %logistic3A_61 = arith.divf %logistic3A_59, %logistic3A_60 : vector<64x512xf32>
    %mul3A_62 = arith.mulf %slice3A_54, %logistic3A_61 : vector<64x512xf32>
    %mul3A_63 = arith.mulf %mul3A_62, %slice3A_55 : vector<64x512xf32>
    %get3A_64 = arith.constant 1 : index
    %get3A_65 = arith.constant 0 : index
    %get3A_66 = arith.constant 0 : index
    %get3A_67 = vector.load %arg4[%get3A_64, %get3A_65, %get3A_66] : memref<2x1024x512xf32, #tpu.memory_space<vmem>>, vector<1x1024x512xf32>
    %get3A_68 = vector.shape_cast %get3A_67 : vector<1x1024x512xf32> to vector<1024x512xf32>
    %dot_general3A_69 = arith.constant dense<0.000000e+00> : vector<64x1024xf32>
    %dot_general3A_70 = tpu.matmul %mul3A_63, %get3A_68, %dot_general3A_69 {dimension_numbers = #tpu.dot_dimension_numbers<[1], [1], [0], [0], [0, 0, 1, 0], [], []>, transpose_lhs_hint = false} : vector<64x512xf32>, vector<1024x512xf32>, vector<64x1024xf32> -> vector<64x1024xf32>
    %broadcast_in_dim3A_71 = vector.shape_cast %reduce_sum3A_46 : vector<64xf32> to vector<64x1xf32>
    %mul3A_72 = vector.broadcast %broadcast_in_dim3A_71 : vector<64x1xf32> to vector<64x1024xf32>
    %mul3A_73 = arith.mulf %dot_general3A_70, %mul3A_72 : vector<64x1024xf32>
    %add3A_74 = arith.addf %add3A_35, %mul3A_73 : vector<64x1024xf32>
    %eq3A_75 = arith.constant 0 : i32
    %eq3A_76 = arith.cmpi eq, %arg0, %eq3A_75 : i32
    %convert_element_type3A = arith.extui %eq3A_76 : i1 to i32
    %cond3A = arith.constant 0 : i32
    %cond3A_77 = arith.cmpi ne, %convert_element_type3A, %cond3A : i32
    scf.if %cond3A_77 {
      %swap3A = arith.constant 0 : index
      %swap3A_82 = arith.constant 0 : index
      %swap3A_83 = vector.load %arg5[%swap3A, %swap3A_82] : memref<64x1024xf32, #tpu.memory_space<vmem>>, vector<64x1024xf32>
      tpu.vector_store %arg5[%swap3A, %swap3A_82], %add3A_74 {strides = array<i32>} : memref<64x1024xf32, #tpu.memory_space<vmem>>, vector<64x1024xf32>,
    } else {
    }
    %ne3A = arith.constant 0 : i32
    %ne3A_78 = arith.cmpi ne, %arg0, %ne3A : i32
    %convert_element_type3A_79 = arith.extui %ne3A_78 : i1 to i32
    %cond3A_80 = arith.constant 0 : i32
    %cond3A_81 = arith.cmpi ne, %convert_element_type3A_79, %cond3A_80 : i32
    scf.if %cond3A_81 {
      %get3A_82 = arith.constant 0 : index
      %get3A_83 = arith.constant 0 : index
      %get3A_84 = vector.load %arg5[%get3A_82, %get3A_83] : memref<64x1024xf32, #tpu.memory_space<vmem>>, vector<64x1024xf32>
      %add3A_85 = arith.addf %get3A_84, %add3A_74 : vector<64x1024xf32>
      %swap3A = arith.constant 0 : index
      %swap3A_86 = arith.constant 0 : index
      %swap3A_87 = vector.load %arg5[%swap3A, %swap3A_86] : memref<64x1024xf32, #tpu.memory_space<vmem>>, vector<64x1024xf32>
      tpu.vector_store %arg5[%swap3A, %swap3A_86], %add3A_85 {strides = array<i32>} : memref<64x1024xf32, #tpu.memory_space<vmem>>, vector<64x1024xf32>,
    } else {
    }
    return
  }
  func.func @transform_0(%arg0: i32) -> (i32, i32) {
    %c0_i32 = arith.constant 0 : i32
    %c0_i32_0 = arith.constant 0 : i32
    %c0_i32_1 = arith.constant 0 : i32
    return %c0_i32, %c0_i32_0 : i32, i32
  }
  func.func @transform_1(%arg0: i32) -> (i32, i32) {
    %c0_i32 = arith.constant 0 : i32
    %c0_i32_0 = arith.constant 0 : i32
    %c0_i32_1 = arith.constant 0 : i32
    return %c0_i32, %c0_i32_0 : i32, i32
  }
  func.func @transform_2(%arg0: i32) -> (i32, i32, i32) {
    %c0_i32 = arith.constant 0 : i32
    %c0_i32_0 = arith.constant 0 : i32
    %c0_i32_1 = arith.constant 0 : i32
    return %arg0, %c0_i32, %c0_i32_0 : i32, i32, i32
  }
  func.func @transform_3(%arg0: i32) -> (i32, i32, i32) {
    %c0_i32 = arith.constant 0 : i32
    %c0_i32_0 = arith.constant 0 : i32
    %c0_i32_1 = arith.constant 0 : i32
    return %arg0, %c0_i32, %c0_i32_0 : i32, i32, i32
  }
  func.func @transform_4(%arg0: i32) -> (i32, i32) {
    %c0_i32 = arith.constant 0 : i32
    %c0_i32_0 = arith.constant 0 : i32
    %c0_i32_1 = arith.constant 0 : i32
    return %c0_i32, %c0_i32_0 : i32, i32
  }
}

</mosaic_0001>

<sc_bundles>
// kernel: kernel.4.cloned.1.call-start
scs
__scs_entry_jumppad:
0x0: {  	(pc) =	sbr.rel $0x88, $3  }
0x1: {  	(tag) =	ssettag $0x0;
	lr =	simm.s32 $0x1  }
0x2: {  	[smem:$0x3F9C] =	sst lr;
	_ =	strace $0xD0000000  }
0x3: {  	_ = 	snop  }
0x4: {  	_ = 	snop  }
0x5: {  	_ = 	snop  }
0x6: {  	_ = 	snop  }
0x7: {  	_ = 	snop  }
__scs_overlays_trampoline_lowered:
0x8: {  	[smem:$0x3FAB] =	sst s0  }
0x9: {  	[smem:$0x3FAC] =	sst s1  }
0xa: {  	[smem:$0x3FAD] =	sst s2  }
0xb: {  	[smem:$0x3FAE] =	sst s3  }
0xc: {  	[smem:$0x3FAF] =	sst s4  }
0xd: {  	[smem:$0x3FB0] =	sst s5  }
0xe: {  	[smem:$0x3FB1] =	sst s6  }
0xf: {  	[smem:$0x3FB2] =	sst s7  }
0x10: {  	[smem:$0x3FB3] =	sst s8  }
0x11: {  	[smem:$0x3FB4] =	sst s9;
	s0 =	simm.s32 @!p0 $0x0  }
0x12: {  	s1 =	sld [smem:$0x3F9A];
	s0 =	simm.s32 @p0 $0x1  }
0x13: {  	[smem:$0x3FB5] =	sst s0;
	s0 =	simm.s32 @!p1 $0x0  }
0x14: {  	s2 =	sld [smem:$0x3F99];
	s0 =	simm.s32 @p1 $0x1  }
0x15: {  	[smem:$0x3FB6] =	sst s0;
	s0 =	simm.s32 @!p2 $0x0  }
0x16: {  	s3 =	sld [smem:$0x3FDB];
	s0 =	simm.s32 @p2 $0x1  }
0x17: {  	s4 =	simm.s32 $0x1BF5;
	[smem:$0x3FB8] =	sst s0  }
0x18: {  	s0 =	sld [smem:$0x3F9B];
	_ =	swait.ge [sflag:s4], $0x0  }
0x19: {  	s7 =	sld [smem:$0x3F9C]  }
0x1a: {  	s8 =	sadd.s32 $0xFFFFE003, lr  }
0x1b: {  	s9 =	sadd.s32 $0xFFFFFEF7, lr;
	s5 =	simm.s32 $0xFFFFFFFF;
	p2 =	slt.u32 s8, $0xFFFFF086  }
0x1c: {  	p1 =	slt.u32 s9, $0xF7A;
	s5 =	simm.s32 @!p2 $0x0  }
0x1d: {  	s5 =	simm.s32 @p1 $0x1;
	p0 =	seq.s32 s7, s2  }
0x1e: {  	s7 =	smul.u32 @!p0 $0xF7A, s2;
	p2 =	seq.s32 @!p0 s5, $0x0  }
0x1f: {  	s9 =	smul.u32 $0xF7A, s1;
	s8 =	simm.s32 @!p0 $0x1BF5;
	p2 =	por !p2, p0  }
0x20: {  	[sflag:s8] =	ssyncset.s32 @!p0 $0xFFFFF086;
	s6 =	sadd.s32 @!p0 s3, s7;
	s7 =	simm.s32 @!p0 $0x108  }
0x21: {  	s3 =	sadd.s32 s3, s9;
	s6 =	sadd.s32 @!p0 $0x88, s6;
	s7 =	simm.s32 @p2 $0x1082  }
0x22: {  	[simem:s7], [sflag:s8] =	dma.local @!p0 [hbm:s6], $0xF7A  }
0x23: {  	s9 =	sor.u32 $0xD0000000, s2;
	s6 =	simm.s32 $0x108;
	_ =	swait.ge @!p0 [sflag:s8], $0x0  }
0x24: {  	s3 =	sadd.s32 $0x88, s3;
	s6 =	simm.s32 @!p1 $0x1082;
	[sflag:s4] =	ssyncset.s32 $0xFFFFF086  }
0x25: {  	[simem:s6], [sflag:s4] =	dma.local [hbm:s3], $0xF7A  }
0x26: {  	[smem:$0x3F9C] =	sst s1;
	(tag) =	ssettag s2;
	_ =	strace s9  }
0x27: {  	s1 =	sld [smem:$0x3FAC]  }
0x28: {  	s2 =	sld [smem:$0x3FAD]  }
0x29: {  	s4 =	sld [smem:$0x3FAF]  }
0x2a: {  	p0 =	seq.s32 s5, $0x0;
	s5 =	sld [smem:$0x3FB0]  }
0x2b: {  	s6 =	sld [smem:$0x3FB1]  }
0x2c: {  	s7 =	sld [smem:$0x3FB2]  }
0x2d: {  	s3 =	simm.s32 $0x108;
	s8 =	sld [smem:$0x3FB3]  }
0x2e: {  	s3 =	simm.s32 @!p0 $0x1082;
	s9 =	sld [smem:$0x3FB4]  }
0x2f: {  	lr =	sadd.s32 s0, s3;
	s0 =	sld [smem:$0x3FAB]  }
0x30: {  	s3 =	sld [smem:$0x3FAE]  }
0x31: {  	[smem:$0x3FB7] =	sst s10  }
0x32: {  	s10 =	sld [smem:$0x3FB5];
	_ =	sdelay $0x3  }
0x33: {  	p0 =	seq.s32 s10, $0x1;
	s10 =	sld [smem:$0x3FB7];
	_ =	sdelay $0x3  }
0x34: {  	[smem:$0x3FB7] =	sst s10  }
0x35: {  	s10 =	sld [smem:$0x3FB6];
	_ =	sdelay $0x3  }
0x36: {  	p1 =	seq.s32 s10, $0x1;
	s10 =	sld [smem:$0x3FB7];
	_ =	sdelay $0x3  }
0x37: {  	[smem:$0x3FB7] =	sst s10  }
0x38: {  	s10 =	sld [smem:$0x3FB8]  }
0x39: {  	_ = 	snop;
	(pc) =	sbr.ind lr, $3  }
0x3a: {  	_ = 	snop  }
0x3b: {  	_ = 	snop  }
0x3c: {  	p2 =	seq.s32 s10, $0x1;
	s10 =	sld [smem:$0x3FB7]  }
0x3d: {  	_ =	shalt  }
0x3e: {  	_ =	shalt  }
0x3f: {  	_ =	shalt  }
0x40: {  	_ =	shalt  }
0x41: {  	_ =	shalt  }
0x42: {  	_ =	shalt  }
0x43: {  	_ =	shalt  }
0x44: {  	_ =	shalt  }
0x45: {  	_ =	shalt  }
0x46: {  	_ =	shalt  }
0x47: {  	_ =	shalt  }
0x48: {  	_ =	shalt  }
0x49: {  	_ =	shalt  }
0x4a: {  	_ =	shalt  }
0x4b: {  	_ =	shalt  }
0x4c: {  	_ =	shalt  }
0x4d: {  	_ =	shalt  }
0x4e: {  	_ =	shalt  }
0x4f: {  	_ =	shalt  }
0x50: {  	_ =	shalt  }
0x51: {  	_ =	shalt  }
0x52: {  	_ =	shalt  }
0x53: {  	_ =	shalt  }
0x54: {  	_ =	shalt  }
0x55: {  	_ =	shalt  }
0x56: {  	_ =	shalt  }
0x57: {  	_ =	shalt  }
0x58: {  	_ =	shalt  }
0x59: {  	_ =	shalt  }
0x5a: {  	_ =	shalt  }
0x5b: {  	_ =	shalt  }
0x5c: {  	_ =	shalt  }
0x5d: {  	_ =	shalt  }
0x5e: {  	_ =	shalt  }
0x5f: {  	_ =	shalt  }
0x60: {  	_ =	shalt  }
0x61: {  	_ =	shalt  }
0x62: {  	_ =	shalt  }
0x63: {  	_ =	shalt  }
0x64: {  	_ =	shalt  }
0x65: {  	_ =	shalt  }
0x66: {  	_ =	shalt  }
0x67: {  	_ =	shalt  }
0x68: {  	_ =	shalt  }
0x69: {  	_ =	shalt  }
0x6a: {  	_ =	shalt  }
0x6b: {  	_ =	shalt  }
0x6c: {  	_ =	shalt  }
0x6d: {  	_ =	shalt  }
0x6e: {  	_ =	shalt  }
0x6f: {  	_ =	shalt  }
0x70: {  	_ =	shalt  }
0x71: {  	_ =	shalt  }
0x72: {  	_ =	shalt  }
0x73: {  	_ =	shalt  }
0x74: {  	_ =	shalt  }
0x75: {  	_ =	shalt  }
0x76: {  	_ =	shalt  }
0x77: {  	_ =	shalt  }
0x78: {  	_ =	shalt  }
0x79: {  	_ =	shalt  }
0x7a: {  	_ =	shalt  }
0x7b: {  	_ =	shalt  }
0x7c: {  	_ =	shalt  }
0x7d: {  	_ =	shalt  }
0x7e: {  	_ =	shalt  }
0x7f: {  	_ =	shalt  }
0x80: {  	_ =	shalt  }
0x81: {  	_ =	shalt  }
0x82: {  	_ =	shalt  }
0x83: {  	_ =	shalt  }
0x84: {  	_ =	shalt  }
0x85: {  	_ =	shalt  }
0x86: {  	_ =	shalt  }
0x87: {  	_ =	shalt  }
.Lfunc_end0:
.L_simem_size_0:
called_computation_lowered:
.L_overlay_start_0:
0x88: {  	s0 =	sld [smem:$0x3FD9]  }
0x89: {  	s1 =	sld [smem:$0x3FFE];
	_ =	sdelay $0x3  }
0x8a: {  	s0 =	sadd.s32 s1, s0  }
0x8b: {  	[smem:$0x3FC3] =	sst s0  }
0x8c: {  	_ = 	snop  }
0x8d: {  	s0 =	sld [smem:$0x3FD0];
	(tm) =	ssettm $0x1  }
0x8e: {  	s16 =	sld [smem:$0x3FFB];
	_ =	sdelay $0x3  }
0x8f: {  	_ =	strace s16  }
0x90: {  	s1 =	sld [smem:$0x3FFC];
	_ =	sdelay $0x3  }
0x91: {  	_ =	strace s1  }
0x92: {  	s1 =	sld [smem:$0x3FFD];
	_ =	sdelay $0x3  }
0x93: {  	_ =	strace s1  }
0x94: {  	_ =	strace $0x8FFFFFFF  }
0x95: {  	s17 =	sld [smem:$0x3FDB];
	_ =	sdelay $0x1  }
0x96: {  	s2 =	simm.s32 $_scs_section_size  }
0x97: {  	s3 =	simm.s32 $_size__tile_overlayer_lowered;
	s4 =	simm.s32 $_tile_overlayer_lowered  }
0x98: {  	s20 =	simm.s32 $0x1BFF;
	s19 =	sshll.u32 s4, $0x1;
	s1 =	sadd.s32 s2, s17  }
0x99: {  	s5 =	simm.s32 $0x0;
	s18 =	sshll.u32 s3, $0x1;
	s3 =	sadd.s32 s19, s1  }
0x9a: {  	[timem:s5], [sflag:s20] =	dma.local [hbm:s3], s18  }
0x9b: {  	_ =	swait.ge [sflag:s20], s18  }
0x9c: {  	s2 =	ssub.s32 $0x0, s18;
	[sflag:s20] =	ssyncset.done $0x0  }
0x9d: {  	[sflag:s20] =	ssyncadd.s32 s2;
	_ =	sdelay $0x1  }
0x9e: {  	s21 =	simm.s32 $0x1B8B  }
0x9f: {  	_ =	swait.ge [sflag:s21], $0x1  }
0xa0: {  	[sflag:s21] =	ssyncset.done $0x0  }
0xa1: {  	s23 =	simm.s32 $0x1B8E;
	s22 =	sld [smem:$0x3FFE];
	[sflag:s21] =	ssyncadd.s32 $0xFFFFFFFF  }
0xa2: {  	s24 =	simm.s32 $execute0_lowered;
	[smem:$0x3FD2] =	sst s23  }
0xa3: {  	s3 =	sshll.u32 s24, $0x1;
	_ =	strace $0x80000046;
	[dreg:$0x1] =	wrdreg $0xFFFFFFFF  }
0xa4: {  	s25 =	simm.s32 $_size_execute0_lowered;
	s1 =	sadd.s32 s1, s3;
	[dreg:$0x0] =	wrdreg $0x0  }
0xa5: {  	s3 =	sshll.u32 s25, $0x1;
	[dreg:$0x2] =	wrdreg s1  }
0xa6: {  	[dreg:$0x3] =	wrdreg s3  }
0xa7: {  	[dreg:$0x4] =	wrdreg $0xC0  }
0xa8: {  	_ =	task [dreg:s5], $0x5FFFF  }
0xa9: {  	[dreg:$0x1] =	wrdreg $0xFFFFFFFF  }
0xaa: {  	[dreg:$0x0] =	wrdreg $0x60  }
0xab: {  	[dreg:$0x2] =	wrdreg s22  }
0xac: {  	[dreg:$0x3] =	wrdreg s0  }
0xad: {  	[dreg:$0x4] =	wrdreg $0x9  }
0xae: {  	_ =	task.clear_ibuf [dreg:s5], $0x5FFFF;
	_ =	strace $0x90000046  }
0xaf: {  	s26 =	simm.s32 $0x9;
	_ =	strace $0x80000048  }
0xb0: {  	_ =	swait.ge [sflag:s26], $0x1  }
0xb1: {  	[sflag:s26] =	ssyncadd.s32 $0xFFFFFFFF  }
0xb2: {  	_ =	strace $0x90000048  }
0xb3: {  	_ =	sfence  }
0xb4: {  	s28 =	sld [smem:$0x0];
	_ =	sdelay $0x1  }
0xb5: {  	s29 =	srdreg.scid  }
0xb6: {  	s30 =	sshll.u32 s29, $0xD;
	s31 =	sshrl.u32 s29, $0x2  }
0xb7: {  	s2 =	sand.u32 $0x4000, s30;
	s1 =	sand.u32 $0x1, s29;
	s0 =	sadd.s32 s31, s28  }
0xb8: {  	s1 =	sor.u32 s2, s1;
	s0 =	sshll.u32 s0, $0x11  }
0xb9: {  	s0 =	sor.u32 s0, s1  }
0xba: {  	s0 =	sadd.s32 $0x8F2B, s0  }
0xbb: {  	[sflag:s0] =	ssyncadd.remote.s32 $0x1  }
0xbc: {  	_ =	sfence.sel $0xFFFF  }
0xbd: {  	[dreg:$0x0] =	wrdreg $0xFFFFFFFF;
	(pc) =	sbr.abs _section_cstart, $3  }
0xbe: {  	[dreg:$0x1] =	wrdreg $0xFFFFFFFF  }
0xbf: {  	_ =	task.clear_ibuf [dreg:s5], $0x2FFFF;
	_ =	strace $0x9FFFFFFF  }
0xc0: {  	(tm) =	ssettm $0x7FFFFFFF  }
0xc1: {  	_ =	shalt  }
tec
execute0_lowered:
.L_overlay_start_1:
0x0: {  	(tag) =	ssettag $0x1  }
0x1: {  	s4 =	rddreg [dreg:$0x0]  }
0x2: {  	s2 =	rddreg [dreg:$0x1];
	s1 =	stileid.u32  }
0x3: {  	s0 =	rddreg [dreg:$0x2];
	s3 =	simm.s32 $0x0;
	s5 =	sshll.u32 s1, $0x2  }
0x4: {  	[smem:$0x7FF] =	sst s3;
	s5 =	sadd.s32 s5, s4  }
0x5: {  	s29 =	simm.s32 $0x1;
	_ =	strace $0x80000047;
	s4 =	sadd.s32 $0x600, s5  }
0x6: {  	[tilespmem:s3], [sflag:$0x1] =	stream.linear.gather [hbm4b:s4+s3], $0x20, $0x38;
	[tilespmem:$0x200] =	vst v63  }
0x7: {  	_ =	swait.ge [sflag:s29], $0x20  }
0x8: {  	[sflag:s29] =	ssyncset.done $0x0  }
0x9: {  	s6 =	simm.s32 $0x80;
	s5 =	sadd.s32 $0x800, s5;
	[sflag:s29] =	ssyncadd.s32 $0xFFFFFFE0  }
0xa: {  	[tilespmem:s6], [sflag:$0x1] =	stream.linear.gather [hbm4b:s5+s3], $0x20, $0x38;
	[tilespmem:$0x200] =	vst v63  }
0xb: {  	_ =	swait.ge [sflag:s29], $0x20  }
0xc: {  	[sflag:s29] =	ssyncset.done $0x0  }
0xd: {  	v0 =	vimm.f32 $0.0e+00;
	[sflag:s29] =	ssyncadd.s32 $0xFFFFFFE0  }
0xe: {  	[tilespmem:$0x100] =	vst v0  }
0xf: {  	[tilespmem:$0x110] =	vst v0  }
0x10: {  	[tilespmem:$0x120] =	vst v0  }
0x11: {  	[tilespmem:$0x130] =	vst v0  }
0x12: {  	[tilespmem:$0x140] =	vst v0  }
0x13: {  	[tilespmem:$0x150] =	vst v0  }
0x14: {  	v1 =	vld [tilespmem:$0x0];
	[tilespmem:$0x160] =	vst v0  }
0x15: {  	v2 =	vlaneseq.u32;
	[tilespmem:$0x170] =	vst v0  }
0x16: {  	vm0 =	vcmask $0x2320;
	v2 =	vshrl.u32 v2, $0x3;
	[tilespmem:$0x180] =	vst v0  }
0x17: {  	vm1 =	vcmask $0x300;
	vm9 =	vcmask $0x2724;
	v2 =	vmul.u32 $0x40, v2;
	[tilespmem:$0x190] =	vst v0  }
0x18: {  	vm2 =	vcmask $0x704;
	vm10 =	vcmask $0x2B28;
	vm0 =	vmor vm1, vm0;
	[tilespmem:$0x1A0] =	vst v0  }
0x19: {  	vm3 =	vcmask $0xB08;
	vm1 =	vmor vm2, vm9;
	[tilespmem:$0x1B0] =	vst v0;
	v3 =	vld [tilespmem:$0x80];
	v1 =	vadd.s32 v2, v1  }
0x1a: {  	vm11 =	vcmask $0x2F2C;
	vm4 =	vcmask $0xF0C;
	vm2 =	vmor vm3, vm10;
	[tilespmem:$0x1C0] =	vst v0  }
0x1b: {  	vm12 =	vcmask $0x3330;
	vm5 =	vcmask $0x1310;
	vm3 =	vmor vm4, vm11;
	[tilespmem:$0x1D0] =	vst v0  }
0x1c: {  	vm13 =	vcmask $0x3734;
	vm6 =	vcmask $0x1714;
	vm4 =	vmor vm5, vm12;
	[tilespmem:$0x1E0] =	vst v0  }
0x1d: {  	s30 =	simm.s32 $0x100;
	vm14 =	vcmask $0x3B38;
	vm7 =	vcmask $0x1B18;
	vm5 =	vmor vm6, vm13;
	[tilespmem:$0x1F0] =	vst v0  }
0x1e: {  	vm15 =	vcmask $0x3F3C;
	vm8 =	vcmask $0x1F1C;
	vm6 =	vmor vm7, vm14;
	[tilespmem:v1+s30+$0x0] =	vst.idx.add.f32.msk vm0, v3  }
0x1f: {  	vm7 =	vmor vm8, vm15;
	[tilespmem:v1+s30+$0x0] =	vst.idx.add.f32.msk vm1, v3  }
0x20: {  	[tilespmem:v1+s30+$0x0] =	vst.idx.add.f32.msk vm2, v3  }
0x21: {  	[tilespmem:v1+s30+$0x0] =	vst.idx.add.f32.msk vm3, v3  }
0x22: {  	[tilespmem:v1+s30+$0x0] =	vst.idx.add.f32.msk vm4, v3  }
0x23: {  	[tilespmem:v1+s30+$0x0] =	vst.idx.add.f32.msk vm5, v3  }
0x24: {  	[tilespmem:v1+s30+$0x0] =	vst.idx.add.f32.msk vm6, v3  }
0x25: {  	[tilespmem:v1+s30+$0x0] =	vst.idx.add.f32.msk vm7, v3  }
0x26: {  	v61 =	vld [tilespmem:$0x10];
	_ =	sdelay $0x3  }
0x27: {  	v62 =	vor.u32 $0x80, v2  }
0x28: {  	v63 =	vld [tilespmem:$0x90];
	v0 =	vadd.s32 v62, v61;
	_ =	sdelay $0x4  }
0x29: {  	[tilespmem:v0+s30+$0x0] =	vst.idx.add.f32.msk vm0, v63  }
0x2a: {  	[tilespmem:v0+s30+$0x0] =	vst.idx.add.f32.msk vm1, v63  }
0x2b: {  	[tilespmem:v0+s30+$0x0] =	vst.idx.add.f32.msk vm2, v63  }
0x2c: {  	[tilespmem:v0+s30+$0x0] =	vst.idx.add.f32.msk vm3, v63  }
0x2d: {  	[tilespmem:v0+s30+$0x0] =	vst.idx.add.f32.msk vm4, v63  }
0x2e: {  	[tilespmem:v0+s30+$0x0] =	vst.idx.add.f32.msk vm5, v63  }
0x2f: {  	s31 =	sshll.u32 s1, $0x5;
	[tilespmem:v0+s30+$0x0] =	vst.idx.add.f32.msk vm6, v63  }
0x30: {  	s2 =	sadd.s32 s2, s31;
	[tilespmem:v0+s30+$0x0] =	vst.idx.add.f32.msk vm7, v63  }
0x31: {  	[hbm4b:s2+s3] =	stream.linear.scatter [tilespmem:s30], [sflag:$0x1], $0x100, $0x38;
	[tilespmem:$0x200] =	vst v63  }
0x32: {  	_ =	swait.ge [sflag:s29], $0x100  }
0x33: {  	[sflag:s29] =	ssyncset.done $0x0  }
0x34: {  	[sflag:s29] =	ssyncadd.s32 $0xFFFFFF00  }
0x35: {  	_ =	sfence.sel $0x180000  }
0x36: {  	[bflag:$0x0] =	sbarrier.arrive $0xFFFF  }
0x37: {  	p0 =	sne.s32 s1, $0x0;
	_ =	strace $0x90000047  }
0x38: {  	s0 =	sadd.s32 @!p0 $0x100000, s0;
	[bflag:$0x2] =	sbarrier.arrive $0xFFFF  }
0x39: {  	[sflag:s0] =	ssyncadd.tile.s32 @!p0 $0x1;
	_ =	shalt  }
.Lfunc_end2:
_tile_overlayer_lowered:
.L_overlay_start_2:
0x3a: {  	(tag) =	ssettag $0x2  }
0x3b: {  	s0 =	rddreg [dreg:$0x0];
	s2 =	stileid.u32  }
0x3c: {  	s1 =	rddreg [dreg:$0x1];
	p0 =	sne.s32 s2, $0x0  }
0x3d: {  	s3 =	rddreg [dreg:$0x2];
	[bflag:$0x3] =	sbarrier.arrive $0xFFFF;
	s2 =	simm.s32 @!p0 $0x1C01  }
0x3e: {  	[timem:s3], [sflag:s2] =	dma.local @!p0 [hbm:s0], s1  }
0x3f: {  	s0 =	simm.s32 @!p0 $0x1  }
0x40: {  	_ =	swait.ge @!p0 [sflag:s0], s1  }
0x41: {  	s1 =	ssub.s32 @!p0 $0x0, s1;
	[sflag:s0] =	ssyncset.done @!p0 $0x0  }
0x42: {  	[sflag:s0] =	ssyncadd.s32 @!p0 s1  }
0x43: {  	[bflag:$0x3] =	sbarrier.arrive $0xFFFF  }
0x44: {  	_ =	shalt  }

</sc_bundles>
